<compile_context>
chip_gen: v7x
topology: tpu7x:2x2x1
jax: 0.10.2.dev20260603
libtpu: 0.0.44.dev20260713+nightly
codegen_flags: <defaults>
</compile_context>

<pallas_src>
import functools

import jax
import jax.numpy as jnp
from jax import lax
from jax.experimental import pallas as pl
from jax.experimental.pallas import tpu as pltpu
from jax.experimental.pallas import tpu_sc as plsc

_N_BINS = 15
_TC_R = 2000


def _tc_body(x_ref, lab_ref, out_ref):
    x = x_ref[...]
    r, c = x.shape
    rowmax = jnp.max(x, axis=1, keepdims=True)
    s = jnp.sum(jnp.exp(x), axis=1, keepdims=True)
    conf = (jnp.exp(rowmax) / s)[:, 0]

    ii = lax.broadcasted_iota(jnp.int32, (r, c), 1)
    lab = lab_ref[0, 0, :]
    labval = jnp.max(jnp.where(ii == lab[:, None], x, -jnp.inf),
                     axis=1, keepdims=True)
    accur = (labval == rowmax).astype(jnp.float32)[:, 0]

    step = jnp.float32(1.0) / jnp.float32(_N_BINS)
    bi = lax.broadcasted_iota(jnp.int32, (1, _N_BINS), 1).astype(jnp.float32)
    lo = bi * step
    up = (bi + 1.0) * step
    cf = conf[:, None]
    m = ((cf > lo) & (cf <= up)).astype(jnp.float32)

    out_ref[...] = jnp.zeros_like(out_ref)
    out_ref[0, 0:1, 0:_N_BINS] = jnp.sum(m, axis=0, keepdims=True)
    out_ref[0, 1:2, 0:_N_BINS] = jnp.sum(m * cf, axis=0, keepdims=True)
    out_ref[0, 2:3, 0:_N_BINS] = jnp.sum(m * accur[:, None], axis=0,
                                         keepdims=True)


def _sc_merge(p_hbm, out_hbm, buf, scr, *, n_blocks, n_total):
    wid = lax.axis_index("s") * 2 + lax.axis_index("c")

    @pl.when(wid == 0)
    def _():
        pltpu.sync_copy(p_hbm, buf)
        iv = lax.broadcasted_iota(jnp.int32, (16,), 0)

        def _perm(x, idx):
            return lax.gather(
                x, idx[:, None],
                lax.GatherDimensionNumbers(offset_dims=(),
                                           collapsed_slice_dims=(0,),
                                           start_index_map=(0,)),
                slice_sizes=(1,),
                mode=lax.GatherScatterMode.PROMISE_IN_BOUNDS)

        zero = jnp.zeros((16,), jnp.float32)
        cnt, cs, asm = zero, zero, zero
        for i in range(n_blocks):
            cnt = cnt + buf[i, 0, pl.ds(0, 16)]
            cs = cs + buf[i, 1, pl.ds(0, 16)]
            asm = asm + buf[i, 2, pl.ds(0, 16)]
        safe = jnp.maximum(cnt, 1.0)
        gap = jnp.abs(cs / safe - asm / safe) * (cnt / n_total)
        ece = jnp.where(cnt > 0.0, gap, 0.0)
        for k in (1, 2, 4, 8):
            ece = ece + _perm(ece, jnp.bitwise_xor(iv, k))
        scr[...] = ece
        pltpu.sync_copy(scr, out_hbm)


def kernel(logits, labels):
    n, c = logits.shape
    g = n // _TC_R
    lab3 = labels.astype(jnp.int32).reshape(g, 1, _TC_R)

    partials = pl.pallas_call(
        _tc_body,
        grid=(g,),
        in_specs=[
            pl.BlockSpec((_TC_R, c), lambda i: (i, 0)),
            pl.BlockSpec((1, 1, _TC_R), lambda i: (i, 0, 0)),
        ],
        out_specs=pl.BlockSpec((1, 8, 128), lambda i: (i, 0, 0)),
        out_shape=jax.ShapeDtypeStruct((g, 8, 128), jnp.float32),
        compiler_params=pltpu.CompilerParams(
            dimension_semantics=("parallel",)),
    )(logits, lab3)

    out = pl.kernel(
        functools.partial(_sc_merge, n_blocks=g, n_total=float(n)),
        out_type=jax.ShapeDtypeStruct((16,), jnp.float32),
        mesh=plsc.VectorSubcoreMesh(core_axis_name="c", subcore_axis_name="s"),
        scratch_types=[
            pltpu.VMEM((g, 8, 128), jnp.float32),
            pltpu.VMEM((16,), jnp.float32),
        ],
    )(partials)
    return out[0:1]

# --- scband reference (transcript-rebuilt; emitter-appended) ---
"""Pipeline reference for scband-eceloss-34059090658026 (READ-ONLY COPY).

The authoritative reference and input builder live on the scoring server;
editing this copy changes nothing except your own understanding.
"""

import jax, jax.numpy as jnp
import numpy as np

N_BINS = 15


def setup_inputs(seed: int = 0) -> dict:
    key = jax.random.key(seed)
    k1, k2 = jax.random.split(key)
    logits = jax.random.normal(k1, (50000, 1000), dtype=jnp.float32)
    labels = jax.random.randint(k2, (50000,), 0, 1000, dtype=jnp.int64)
    return {"logits": logits, "labels": labels}


def reference(logits, labels):
    # softmax over classes, take max prob as confidence, argmax as prediction
    softmax = jax.nn.softmax(logits, axis=1)
    confidences = jnp.max(softmax, axis=1)
    predictions = jnp.argmax(softmax, axis=1)
    accuracies = (predictions == labels).astype(jnp.float32)

    bin_boundaries = jnp.linspace(0.0, 1.0, N_BINS + 1)
    bin_lowers = bin_boundaries[:-1]
    bin_uppers = bin_boundaries[1:]

    ece = jnp.zeros((1,), dtype=jnp.float32)
    for i in range(N_BINS):
        bin_lower = bin_lowers[i]
        bin_upper = bin_uppers[i]
        in_bin = (confidences > bin_lower) & (confidences <= bin_upper)
        in_bin_f = in_bin.astype(jnp.float32)
        count = jnp.sum(in_bin_f)
        prop_in_bin = jnp.mean(in_bin_f)
        safe_count = jnp.maximum(count, 1.0)
        accuracy_in_bin = jnp.sum(accuracies * in_bin_f) / safe_count
        avg_confidence_in_bin = jnp.sum(confidences * in_bin_f) / safe_count
        gap = jnp.abs(avg_confidence_in_bin - accuracy_in_bin) * prop_in_bin
        ece = ece + jnp.where(count > 0, gap, 0.0)
    return ece

if __name__ == "__main__":
    import jax
    _d = setup_inputs()
    print(jax.jit(kernel)(*tuple(_d.values())))

</pallas_src>

<mosaic_0001>
#map = affine_map<(d0, d1) -> (0, 0, 0)>
#map1 = affine_map<(d0, d1) -> (0)>
module attributes {stable_mosaic.version = 14 : i64} {
  func.func @_sc_merge(%arg0: i32, %arg1: i32, %arg2: memref<25x8x128xf32, #tpu.memory_space<hbm>>, %arg3: memref<16xf32, #tpu.memory_space<hbm>>, %arg4: memref<25x8x128xf32, #tpu.memory_space<vmem>>, %arg5: memref<16xf32, #tpu.memory_space<vmem>>) attributes {dimension_semantics = [#tpu.dimension_semantics<core_parallel>, #tpu.dimension_semantics<subcore_parallel>], iteration_bounds = array<i64: 2, 16>, scalar_prefetch = 0 : i64, scratch_operands = 2 : i64, tpu.core_type = #tpu.core_type<sc_vector_subcore>, window_params = [{transform_indices = #map}, {transform_indices = #map1}]} {
    %mul3A = arith.constant 2 : i32
    %mul3A_0 = arith.muli %arg1, %mul3A : i32
    %add3A = arith.addi %mul3A_0, %arg0 : i32
    %eq3A = arith.constant 0 : i32
    %eq3A_1 = arith.cmpi eq, %add3A, %eq3A : i32
    %convert_element_type3A = arith.extui %eq3A_1 : i1 to i32
    %cond3A = arith.constant 0 : i32
    %cond3A_2 = arith.cmpi ne, %convert_element_type3A, %cond3A : i32
    scf.if %cond3A_2 {
      "tpu.region"() ({
        %run_scoped3A = tpu.sem_alloc : memref<!tpu.dma_semaphore, #tpu.memory_space<semaphore_mem>>
        tpu.enqueue_dma source(%arg2 : memref<25x8x128xf32, #tpu.memory_space<hbm>>) target(%arg4 : memref<25x8x128xf32, #tpu.memory_space<vmem>>) target_semaphore(%run_scoped3A : memref<!tpu.dma_semaphore, #tpu.memory_space<semaphore_mem>>)
        tpu.wait_dma2 semaphore(%run_scoped3A : memref<!tpu.dma_semaphore, #tpu.memory_space<semaphore_mem>>) src(%arg2 : memref<25x8x128xf32, #tpu.memory_space<hbm>>) dst(%arg4 : memref<25x8x128xf32, #tpu.memory_space<vmem>>)
        tpu.yield
      }) : () -> ()
      %iota3A = tpu.iota {dimensions = array<i32: 0>} : vector<16xi32>
      %broadcast_in_dim3A = arith.constant 0.000000e+00 : f32
      %broadcast_in_dim3A_3 = vector.broadcast %broadcast_in_dim3A : f32 to vector<16xf32>
      %get3A = arith.constant 0 : i32
      %get3A_4 = arith.constant 0 : i32
      %get3A_5 = arith.index_cast %get3A : i32 to index
      %get3A_6 = arith.index_cast %get3A_4 : i32 to index
      %get3A_7 = arith.constant 0 : index
      %get3A_8 = tpu.vector_load %arg4[%get3A_5, %get3A_6, %get3A_7] {strides = array<i32>} : memref<25x8x128xf32, #tpu.memory_space<vmem>>, vector<1x1x16xf32>,
      %get3A_9 = vector.shape_cast %get3A_8 : vector<1x1x16xf32> to vector<16xf32>
      %add3A_10 = arith.addf %broadcast_in_dim3A_3, %get3A_9 : vector<16xf32>
      %get3A_11 = arith.constant 0 : i32
      %get3A_12 = arith.constant 1 : i32
      %get3A_13 = arith.index_cast %get3A_11 : i32 to index
      %get3A_14 = arith.index_cast %get3A_12 : i32 to index
      %get3A_15 = arith.constant 0 : index
      %get3A_16 = tpu.vector_load %arg4[%get3A_13, %get3A_14, %get3A_15] {strides = array<i32>} : memref<25x8x128xf32, #tpu.memory_space<vmem>>, vector<1x1x16xf32>,
      %get3A_17 = vector.shape_cast %get3A_16 : vector<1x1x16xf32> to vector<16xf32>
      %add3A_18 = arith.addf %broadcast_in_dim3A_3, %get3A_17 : vector<16xf32>
      %get3A_19 = arith.constant 0 : i32
      %get3A_20 = arith.constant 2 : i32
      %get3A_21 = arith.index_cast %get3A_19 : i32 to index
      %get3A_22 = arith.index_cast %get3A_20 : i32 to index
      %get3A_23 = arith.constant 0 : index
      %get3A_24 = tpu.vector_load %arg4[%get3A_21, %get3A_22, %get3A_23] {strides = array<i32>} : memref<25x8x128xf32, #tpu.memory_space<vmem>>, vector<1x1x16xf32>,
      %get3A_25 = vector.shape_cast %get3A_24 : vector<1x1x16xf32> to vector<16xf32>
      %add3A_26 = arith.addf %broadcast_in_dim3A_3, %get3A_25 : vector<16xf32>
      %get3A_27 = arith.constant 1 : i32
      %get3A_28 = arith.constant 0 : i32
      %get3A_29 = arith.index_cast %get3A_27 : i32 to index
      %get3A_30 = arith.index_cast %get3A_28 : i32 to index
      %get3A_31 = arith.constant 0 : index
      %get3A_32 = tpu.vector_load %arg4[%get3A_29, %get3A_30, %get3A_31] {strides = array<i32>} : memref<25x8x128xf32, #tpu.memory_space<vmem>>, vector<1x1x16xf32>,
      %get3A_33 = vector.shape_cast %get3A_32 : vector<1x1x16xf32> to vector<16xf32>
      %add3A_34 = arith.addf %add3A_10, %get3A_33 : vector<16xf32>
      %get3A_35 = arith.constant 1 : i32
      %get3A_36 = arith.constant 1 : i32
      %get3A_37 = arith.index_cast %get3A_35 : i32 to index
      %get3A_38 = arith.index_cast %get3A_36 : i32 to index
      %get3A_39 = arith.constant 0 : index
      %get3A_40 = tpu.vector_load %arg4[%get3A_37, %get3A_38, %get3A_39] {strides = array<i32>} : memref<25x8x128xf32, #tpu.memory_space<vmem>>, vector<1x1x16xf32>,
      %get3A_41 = vector.shape_cast %get3A_40 : vector<1x1x16xf32> to vector<16xf32>
      %add3A_42 = arith.addf %add3A_18, %get3A_41 : vector<16xf32>
      %get3A_43 = arith.constant 1 : i32
      %get3A_44 = arith.constant 2 : i32
      %get3A_45 = arith.index_cast %get3A_43 : i32 to index
      %get3A_46 = arith.index_cast %get3A_44 : i32 to index
      %get3A_47 = arith.constant 0 : index
      %get3A_48 = tpu.vector_load %arg4[%get3A_45, %get3A_46, %get3A_47] {strides = array<i32>} : memref<25x8x128xf32, #tpu.memory_space<vmem>>, vector<1x1x16xf32>,
      %get3A_49 = vector.shape_cast %get3A_48 : vector<1x1x16xf32> to vector<16xf32>
      %add3A_50 = arith.addf %add3A_26, %get3A_49 : vector<16xf32>
      %get3A_51 = arith.constant 2 : i32
      %get3A_52 = arith.constant 0 : i32
      %get3A_53 = arith.index_cast %get3A_51 : i32 to index
      %get3A_54 = arith.index_cast %get3A_52 : i32 to index
      %get3A_55 = arith.constant 0 : index
      %get3A_56 = tpu.vector_load %arg4[%get3A_53, %get3A_54, %get3A_55] {strides = array<i32>} : memref<25x8x128xf32, #tpu.memory_space<vmem>>, vector<1x1x16xf32>,
      %get3A_57 = vector.shape_cast %get3A_56 : vector<1x1x16xf32> to vector<16xf32>
      %add3A_58 = arith.addf %add3A_34, %get3A_57 : vector<16xf32>
      %get3A_59 = arith.constant 2 : i32
      %get3A_60 = arith.constant 1 : i32
      %get3A_61 = arith.index_cast %get3A_59 : i32 to index
      %get3A_62 = arith.index_cast %get3A_60 : i32 to index
      %get3A_63 = arith.constant 0 : index
      %get3A_64 = tpu.vector_load %arg4[%get3A_61, %get3A_62, %get3A_63] {strides = array<i32>} : memref<25x8x128xf32, #tpu.memory_space<vmem>>, vector<1x1x16xf32>,
      %get3A_65 = vector.shape_cast %get3A_64 : vector<1x1x16xf32> to vector<16xf32>
      %add3A_66 = arith.addf %add3A_42, %get3A_65 : vector<16xf32>
      %get3A_67 = arith.constant 2 : i32
      %get3A_68 = arith.constant 2 : i32
      %get3A_69 = arith.index_cast %get3A_67 : i32 to index
      %get3A_70 = arith.index_cast %get3A_68 : i32 to index
      %get3A_71 = arith.constant 0 : index
      %get3A_72 = tpu.vector_load %arg4[%get3A_69, %get3A_70, %get3A_71] {strides = array<i32>} : memref<25x8x128xf32, #tpu.memory_space<vmem>>, vector<1x1x16xf32>,
      %get3A_73 = vector.shape_cast %get3A_72 : vector<1x1x16xf32> to vector<16xf32>
      %add3A_74 = arith.addf %add3A_50, %get3A_73 : vector<16xf32>
      %get3A_75 = arith.constant 3 : i32
      %get3A_76 = arith.constant 0 : i32
      %get3A_77 = arith.index_cast %get3A_75 : i32 to index
      %get3A_78 = arith.index_cast %get3A_76 : i32 to index
      %get3A_79 = arith.constant 0 : index
      %get3A_80 = tpu.vector_load %arg4[%get3A_77, %get3A_78, %get3A_79] {strides = array<i32>} : memref<25x8x128xf32, #tpu.memory_space<vmem>>, vector<1x1x16xf32>,
      %get3A_81 = vector.shape_cast %get3A_80 : vector<1x1x16xf32> to vector<16xf32>
      %add3A_82 = arith.addf %add3A_58, %get3A_81 : vector<16xf32>
      %get3A_83 = arith.constant 3 : i32
      %get3A_84 = arith.constant 1 : i32
      %get3A_85 = arith.index_cast %get3A_83 : i32 to index
      %get3A_86 = arith.index_cast %get3A_84 : i32 to index
      %get3A_87 = arith.constant 0 : index
      %get3A_88 = tpu.vector_load %arg4[%get3A_85, %get3A_86, %get3A_87] {strides = array<i32>} : memref<25x8x128xf32, #tpu.memory_space<vmem>>, vector<1x1x16xf32>,
      %get3A_89 = vector.shape_cast %get3A_88 : vector<1x1x16xf32> to vector<16xf32>
      %add3A_90 = arith.addf %add3A_66, %get3A_89 : vector<16xf32>
      %get3A_91 = arith.constant 3 : i32
      %get3A_92 = arith.constant 2 : i32
      %get3A_93 = arith.index_cast %get3A_91 : i32 to index
      %get3A_94 = arith.index_cast %get3A_92 : i32 to index
      %get3A_95 = arith.constant 0 : index
      %get3A_96 = tpu.vector_load %arg4[%get3A_93, %get3A_94, %get3A_95] {strides = array<i32>} : memref<25x8x128xf32, #tpu.memory_space<vmem>>, vector<1x1x16xf32>,
      %get3A_97 = vector.shape_cast %get3A_96 : vector<1x1x16xf32> to vector<16xf32>
      %add3A_98 = arith.addf %add3A_74, %get3A_97 : vector<16xf32>
      %get3A_99 = arith.constant 4 : i32
      %get3A_100 = arith.constant 0 : i32
      %get3A_101 = arith.index_cast %get3A_99 : i32 to index
      %get3A_102 = arith.index_cast %get3A_100 : i32 to index
      %get3A_103 = arith.constant 0 : index
      %get3A_104 = tpu.vector_load %arg4[%get3A_101, %get3A_102, %get3A_103] {strides = array<i32>} : memref<25x8x128xf32, #tpu.memory_space<vmem>>, vector<1x1x16xf32>,
      %get3A_105 = vector.shape_cast %get3A_104 : vector<1x1x16xf32> to vector<16xf32>
      %add3A_106 = arith.addf %add3A_82, %get3A_105 : vector<16xf32>
      %get3A_107 = arith.constant 4 : i32
      %get3A_108 = arith.constant 1 : i32
      %get3A_109 = arith.index_cast %get3A_107 : i32 to index
      %get3A_110 = arith.index_cast %get3A_108 : i32 to index
      %get3A_111 = arith.constant 0 : index
      %get3A_112 = tpu.vector_load %arg4[%get3A_109, %get3A_110, %get3A_111] {strides = array<i32>} : memref<25x8x128xf32, #tpu.memory_space<vmem>>, vector<1x1x16xf32>,
      %get3A_113 = vector.shape_cast %get3A_112 : vector<1x1x16xf32> to vector<16xf32>
      %add3A_114 = arith.addf %add3A_90, %get3A_113 : vector<16xf32>
      %get3A_115 = arith.constant 4 : i32
      %get3A_116 = arith.constant 2 : i32
      %get3A_117 = arith.index_cast %get3A_115 : i32 to index
      %get3A_118 = arith.index_cast %get3A_116 : i32 to index
      %get3A_119 = arith.constant 0 : index
      %get3A_120 = tpu.vector_load %arg4[%get3A_117, %get3A_118, %get3A_119] {strides = array<i32>} : memref<25x8x128xf32, #tpu.memory_space<vmem>>, vector<1x1x16xf32>,
      %get3A_121 = vector.shape_cast %get3A_120 : vector<1x1x16xf32> to vector<16xf32>
      %add3A_122 = arith.addf %add3A_98, %get3A_121 : vector<16xf32>
      %get3A_123 = arith.constant 5 : i32
      %get3A_124 = arith.constant 0 : i32
      %get3A_125 = arith.index_cast %get3A_123 : i32 to index
      %get3A_126 = arith.index_cast %get3A_124 : i32 to index
      %get3A_127 = arith.constant 0 : index
      %get3A_128 = tpu.vector_load %arg4[%get3A_125, %get3A_126, %get3A_127] {strides = array<i32>} : memref<25x8x128xf32, #tpu.memory_space<vmem>>, vector<1x1x16xf32>,
      %get3A_129 = vector.shape_cast %get3A_128 : vector<1x1x16xf32> to vector<16xf32>
      %add3A_130 = arith.addf %add3A_106, %get3A_129 : vector<16xf32>
      %get3A_131 = arith.constant 5 : i32
      %get3A_132 = arith.constant 1 : i32
      %get3A_133 = arith.index_cast %get3A_131 : i32 to index
      %get3A_134 = arith.index_cast %get3A_132 : i32 to index
      %get3A_135 = arith.constant 0 : index
      %get3A_136 = tpu.vector_load %arg4[%get3A_133, %get3A_134, %get3A_135] {strides = array<i32>} : memref<25x8x128xf32, #tpu.memory_space<vmem>>, vector<1x1x16xf32>,
      %get3A_137 = vector.shape_cast %get3A_136 : vector<1x1x16xf32> to vector<16xf32>
      %add3A_138 = arith.addf %add3A_114, %get3A_137 : vector<16xf32>
      %get3A_139 = arith.constant 5 : i32
      %get3A_140 = arith.constant 2 : i32
      %get3A_141 = arith.index_cast %get3A_139 : i32 to index
      %get3A_142 = arith.index_cast %get3A_140 : i32 to index
      %get3A_143 = arith.constant 0 : index
      %get3A_144 = tpu.vector_load %arg4[%get3A_141, %get3A_142, %get3A_143] {strides = array<i32>} : memref<25x8x128xf32, #tpu.memory_space<vmem>>, vector<1x1x16xf32>,
      %get3A_145 = vector.shape_cast %get3A_144 : vector<1x1x16xf32> to vector<16xf32>
      %add3A_146 = arith.addf %add3A_122, %get3A_145 : vector<16xf32>
      %get3A_147 = arith.constant 6 : i32
      %get3A_148 = arith.constant 0 : i32
      %get3A_149 = arith.index_cast %get3A_147 : i32 to index
      %get3A_150 = arith.index_cast %get3A_148 : i32 to index
      %get3A_151 = arith.constant 0 : index
      %get3A_152 = tpu.vector_load %arg4[%get3A_149, %get3A_150, %get3A_151] {strides = array<i32>} : memref<25x8x128xf32, #tpu.memory_space<vmem>>, vector<1x1x16xf32>,
      %get3A_153 = vector.shape_cast %get3A_152 : vector<1x1x16xf32> to vector<16xf32>
      %add3A_154 = arith.addf %add3A_130, %get3A_153 : vector<16xf32>
      %get3A_155 = arith.constant 6 : i32
      %get3A_156 = arith.constant 1 : i32
      %get3A_157 = arith.index_cast %get3A_155 : i32 to index
      %get3A_158 = arith.index_cast %get3A_156 : i32 to index
      %get3A_159 = arith.constant 0 : index
      %get3A_160 = tpu.vector_load %arg4[%get3A_157, %get3A_158, %get3A_159] {strides = array<i32>} : memref<25x8x128xf32, #tpu.memory_space<vmem>>, vector<1x1x16xf32>,
      %get3A_161 = vector.shape_cast %get3A_160 : vector<1x1x16xf32> to vector<16xf32>
      %add3A_162 = arith.addf %add3A_138, %get3A_161 : vector<16xf32>
      %get3A_163 = arith.constant 6 : i32
      %get3A_164 = arith.constant 2 : i32
      %get3A_165 = arith.index_cast %get3A_163 : i32 to index
      %get3A_166 = arith.index_cast %get3A_164 : i32 to index
      %get3A_167 = arith.constant 0 : index
      %get3A_168 = tpu.vector_load %arg4[%get3A_165, %get3A_166, %get3A_167] {strides = array<i32>} : memref<25x8x128xf32, #tpu.memory_space<vmem>>, vector<1x1x16xf32>,
      %get3A_169 = vector.shape_cast %get3A_168 : vector<1x1x16xf32> to vector<16xf32>
      %add3A_170 = arith.addf %add3A_146, %get3A_169 : vector<16xf32>
      %get3A_171 = arith.constant 7 : i32
      %get3A_172 = arith.constant 0 : i32
      %get3A_173 = arith.index_cast %get3A_171 : i32 to index
      %get3A_174 = arith.index_cast %get3A_172 : i32 to index
      %get3A_175 = arith.constant 0 : index
      %get3A_176 = tpu.vector_load %arg4[%get3A_173, %get3A_174, %get3A_175] {strides = array<i32>} : memref<25x8x128xf32, #tpu.memory_space<vmem>>, vector<1x1x16xf32>,
      %get3A_177 = vector.shape_cast %get3A_176 : vector<1x1x16xf32> to vector<16xf32>
      %add3A_178 = arith.addf %add3A_154, %get3A_177 : vector<16xf32>
      %get3A_179 = arith.constant 7 : i32
      %get3A_180 = arith.constant 1 : i32
      %get3A_181 = arith.index_cast %get3A_179 : i32 to index
      %get3A_182 = arith.index_cast %get3A_180 : i32 to index
      %get3A_183 = arith.constant 0 : index
      %get3A_184 = tpu.vector_load %arg4[%get3A_181, %get3A_182, %get3A_183] {strides = array<i32>} : memref<25x8x128xf32, #tpu.memory_space<vmem>>, vector<1x1x16xf32>,
      %get3A_185 = vector.shape_cast %get3A_184 : vector<1x1x16xf32> to vector<16xf32>
      %add3A_186 = arith.addf %add3A_162, %get3A_185 : vector<16xf32>
      %get3A_187 = arith.constant 7 : i32
      %get3A_188 = arith.constant 2 : i32
      %get3A_189 = arith.index_cast %get3A_187 : i32 to index
      %get3A_190 = arith.index_cast %get3A_188 : i32 to index
      %get3A_191 = arith.constant 0 : index
      %get3A_192 = tpu.vector_load %arg4[%get3A_189, %get3A_190, %get3A_191] {strides = array<i32>} : memref<25x8x128xf32, #tpu.memory_space<vmem>>, vector<1x1x16xf32>,
      %get3A_193 = vector.shape_cast %get3A_192 : vector<1x1x16xf32> to vector<16xf32>
      %add3A_194 = arith.addf %add3A_170, %get3A_193 : vector<16xf32>
      %get3A_195 = arith.constant 8 : i32
      %get3A_196 = arith.constant 0 : i32
      %get3A_197 = arith.index_cast %get3A_195 : i32 to index
      %get3A_198 = arith.index_cast %get3A_196 : i32 to index
      %get3A_199 = arith.constant 0 : index
      %get3A_200 = tpu.vector_load %arg4[%get3A_197, %get3A_198, %get3A_199] {strides = array<i32>} : memref<25x8x128xf32, #tpu.memory_space<vmem>>, vector<1x1x16xf32>,
      %get3A_201 = vector.shape_cast %get3A_200 : vector<1x1x16xf32> to vector<16xf32>
      %add3A_202 = arith.addf %add3A_178, %get3A_201 : vector<16xf32>
      %get3A_203 = arith.constant 8 : i32
      %get3A_204 = arith.constant 1 : i32
      %get3A_205 = arith.index_cast %get3A_203 : i32 to index
      %get3A_206 = arith.index_cast %get3A_204 : i32 to index
      %get3A_207 = arith.constant 0 : index
      %get3A_208 = tpu.vector_load %arg4[%get3A_205, %get3A_206, %get3A_207] {strides = array<i32>} : memref<25x8x128xf32, #tpu.memory_space<vmem>>, vector<1x1x16xf32>,
      %get3A_209 = vector.shape_cast %get3A_208 : vector<1x1x16xf32> to vector<16xf32>
      %add3A_210 = arith.addf %add3A_186, %get3A_209 : vector<16xf32>
      %get3A_211 = arith.constant 8 : i32
      %get3A_212 = arith.constant 2 : i32
      %get3A_213 = arith.index_cast %get3A_211 : i32 to index
      %get3A_214 = arith.index_cast %get3A_212 : i32 to index
      %get3A_215 = arith.constant 0 : index
      %get3A_216 = tpu.vector_load %arg4[%get3A_213, %get3A_214, %get3A_215] {strides = array<i32>} : memref<25x8x128xf32, #tpu.memory_space<vmem>>, vector<1x1x16xf32>,
      %get3A_217 = vector.shape_cast %get3A_216 : vector<1x1x16xf32> to vector<16xf32>
      %add3A_218 = arith.addf %add3A_194, %get3A_217 : vector<16xf32>
      %get3A_219 = arith.constant 9 : i32
      %get3A_220 = arith.constant 0 : i32
      %get3A_221 = arith.index_cast %get3A_219 : i32 to index
      %get3A_222 = arith.index_cast %get3A_220 : i32 to index
      %get3A_223 = arith.constant 0 : index
      %get3A_224 = tpu.vector_load %arg4[%get3A_221, %get3A_222, %get3A_223] {strides = array<i32>} : memref<25x8x128xf32, #tpu.memory_space<vmem>>, vector<1x1x16xf32>,
      %get3A_225 = vector.shape_cast %get3A_224 : vector<1x1x16xf32> to vector<16xf32>
      %add3A_226 = arith.addf %add3A_202, %get3A_225 : vector<16xf32>
      %get3A_227 = arith.constant 9 : i32
      %get3A_228 = arith.constant 1 : i32
      %get3A_229 = arith.index_cast %get3A_227 : i32 to index
      %get3A_230 = arith.index_cast %get3A_228 : i32 to index
      %get3A_231 = arith.constant 0 : index
      %get3A_232 = tpu.vector_load %arg4[%get3A_229, %get3A_230, %get3A_231] {strides = array<i32>} : memref<25x8x128xf32, #tpu.memory_space<vmem>>, vector<1x1x16xf32>,
      %get3A_233 = vector.shape_cast %get3A_232 : vector<1x1x16xf32> to vector<16xf32>
      %add3A_234 = arith.addf %add3A_210, %get3A_233 : vector<16xf32>
      %get3A_235 = arith.constant 9 : i32
      %get3A_236 = arith.constant 2 : i32
      %get3A_237 = arith.index_cast %get3A_235 : i32 to index
      %get3A_238 = arith.index_cast %get3A_236 : i32 to index
      %get3A_239 = arith.constant 0 : index
      %get3A_240 = tpu.vector_load %arg4[%get3A_237, %get3A_238, %get3A_239] {strides = array<i32>} : memref<25x8x128xf32, #tpu.memory_space<vmem>>, vector<1x1x16xf32>,
      %get3A_241 = vector.shape_cast %get3A_240 : vector<1x1x16xf32> to vector<16xf32>
      %add3A_242 = arith.addf %add3A_218, %get3A_241 : vector<16xf32>
      %get3A_243 = arith.constant 10 : i32
      %get3A_244 = arith.constant 0 : i32
      %get3A_245 = arith.index_cast %get3A_243 : i32 to index
      %get3A_246 = arith.index_cast %get3A_244 : i32 to index
      %get3A_247 = arith.constant 0 : index
      %get3A_248 = tpu.vector_load %arg4[%get3A_245, %get3A_246, %get3A_247] {strides = array<i32>} : memref<25x8x128xf32, #tpu.memory_space<vmem>>, vector<1x1x16xf32>,
      %get3A_249 = vector.shape_cast %get3A_248 : vector<1x1x16xf32> to vector<16xf32>
      %add3A_250 = arith.addf %add3A_226, %get3A_249 : vector<16xf32>
      %get3A_251 = arith.constant 10 : i32
      %get3A_252 = arith.constant 1 : i32
      %get3A_253 = arith.index_cast %get3A_251 : i32 to index
      %get3A_254 = arith.index_cast %get3A_252 : i32 to index
      %get3A_255 = arith.constant 0 : index
      %get3A_256 = tpu.vector_load %arg4[%get3A_253, %get3A_254, %get3A_255] {strides = array<i32>} : memref<25x8x128xf32, #tpu.memory_space<vmem>>, vector<1x1x16xf32>,
      %get3A_257 = vector.shape_cast %get3A_256 : vector<1x1x16xf32> to vector<16xf32>
      %add3A_258 = arith.addf %add3A_234, %get3A_257 : vector<16xf32>
      %get3A_259 = arith.constant 10 : i32
      %get3A_260 = arith.constant 2 : i32
      %get3A_261 = arith.index_cast %get3A_259 : i32 to index
      %get3A_262 = arith.index_cast %get3A_260 : i32 to index
      %get3A_263 = arith.constant 0 : index
      %get3A_264 = tpu.vector_load %arg4[%get3A_261, %get3A_262, %get3A_263] {strides = array<i32>} : memref<25x8x128xf32, #tpu.memory_space<vmem>>, vector<1x1x16xf32>,
      %get3A_265 = vector.shape_cast %get3A_264 : vector<1x1x16xf32> to vector<16xf32>
      %add3A_266 = arith.addf %add3A_242, %get3A_265 : vector<16xf32>
      %get3A_267 = arith.constant 11 : i32
      %get3A_268 = arith.constant 0 : i32
      %get3A_269 = arith.index_cast %get3A_267 : i32 to index
      %get3A_270 = arith.index_cast %get3A_268 : i32 to index
      %get3A_271 = arith.constant 0 : index
      %get3A_272 = tpu.vector_load %arg4[%get3A_269, %get3A_270, %get3A_271] {strides = array<i32>} : memref<25x8x128xf32, #tpu.memory_space<vmem>>, vector<1x1x16xf32>,
      %get3A_273 = vector.shape_cast %get3A_272 : vector<1x1x16xf32> to vector<16xf32>
      %add3A_274 = arith.addf %add3A_250, %get3A_273 : vector<16xf32>
      %get3A_275 = arith.constant 11 : i32
      %get3A_276 = arith.constant 1 : i32
      %get3A_277 = arith.index_cast %get3A_275 : i32 to index
      %get3A_278 = arith.index_cast %get3A_276 : i32 to index
      %get3A_279 = arith.constant 0 : index
      %get3A_280 = tpu.vector_load %arg4[%get3A_277, %get3A_278, %get3A_279] {strides = array<i32>} : memref<25x8x128xf32, #tpu.memory_space<vmem>>, vector<1x1x16xf32>,
      %get3A_281 = vector.shape_cast %get3A_280 : vector<1x1x16xf32> to vector<16xf32>
      %add3A_282 = arith.addf %add3A_258, %get3A_281 : vector<16xf32>
      %get3A_283 = arith.constant 11 : i32
      %get3A_284 = arith.constant 2 : i32
      %get3A_285 = arith.index_cast %get3A_283 : i32 to index
      %get3A_286 = arith.index_cast %get3A_284 : i32 to index
      %get3A_287 = arith.constant 0 : index
      %get3A_288 = tpu.vector_load %arg4[%get3A_285, %get3A_286, %get3A_287] {strides = array<i32>} : memref<25x8x128xf32, #tpu.memory_space<vmem>>, vector<1x1x16xf32>,
      %get3A_289 = vector.shape_cast %get3A_288 : vector<1x1x16xf32> to vector<16xf32>
      %add3A_290 = arith.addf %add3A_266, %get3A_289 : vector<16xf32>
      %get3A_291 = arith.constant 12 : i32
      %get3A_292 = arith.constant 0 : i32
      %get3A_293 = arith.index_cast %get3A_291 : i32 to index
      %get3A_294 = arith.index_cast %get3A_292 : i32 to index
      %get3A_295 = arith.constant 0 : index
      %get3A_296 = tpu.vector_load %arg4[%get3A_293, %get3A_294, %get3A_295] {strides = array<i32>} : memref<25x8x128xf32, #tpu.memory_space<vmem>>, vector<1x1x16xf32>,
      %get3A_297 = vector.shape_cast %get3A_296 : vector<1x1x16xf32> to vector<16xf32>
      %add3A_298 = arith.addf %add3A_274, %get3A_297 : vector<16xf32>
      %get3A_299 = arith.constant 12 : i32
      %get3A_300 = arith.constant 1 : i32
      %get3A_301 = arith.index_cast %get3A_299 : i32 to index
      %get3A_302 = arith.index_cast %get3A_300 : i32 to index
      %get3A_303 = arith.constant 0 : index
      %get3A_304 = tpu.vector_load %arg4[%get3A_301, %get3A_302, %get3A_303] {strides = array<i32>} : memref<25x8x128xf32, #tpu.memory_space<vmem>>, vector<1x1x16xf32>,
      %get3A_305 = vector.shape_cast %get3A_304 : vector<1x1x16xf32> to vector<16xf32>
      %add3A_306 = arith.addf %add3A_282, %get3A_305 : vector<16xf32>
      %get3A_307 = arith.constant 12 : i32
      %get3A_308 = arith.constant 2 : i32
      %get3A_309 = arith.index_cast %get3A_307 : i32 to index
      %get3A_310 = arith.index_cast %get3A_308 : i32 to index
      %get3A_311 = arith.constant 0 : index
      %get3A_312 = tpu.vector_load %arg4[%get3A_309, %get3A_310, %get3A_311] {strides = array<i32>} : memref<25x8x128xf32, #tpu.memory_space<vmem>>, vector<1x1x16xf32>,
      %get3A_313 = vector.shape_cast %get3A_312 : vector<1x1x16xf32> to vector<16xf32>
      %add3A_314 = arith.addf %add3A_290, %get3A_313 : vector<16xf32>
      %get3A_315 = arith.constant 13 : i32
      %get3A_316 = arith.constant 0 : i32
      %get3A_317 = arith.index_cast %get3A_315 : i32 to index
      %get3A_318 = arith.index_cast %get3A_316 : i32 to index
      %get3A_319 = arith.constant 0 : index
      %get3A_320 = tpu.vector_load %arg4[%get3A_317, %get3A_318, %get3A_319] {strides = array<i32>} : memref<25x8x128xf32, #tpu.memory_space<vmem>>, vector<1x1x16xf32>,
      %get3A_321 = vector.shape_cast %get3A_320 : vector<1x1x16xf32> to vector<16xf32>
      %add3A_322 = arith.addf %add3A_298, %get3A_321 : vector<16xf32>
      %get3A_323 = arith.constant 13 : i32
      %get3A_324 = arith.constant 1 : i32
      %get3A_325 = arith.index_cast %get3A_323 : i32 to index
      %get3A_326 = arith.index_cast %get3A_324 : i32 to index
      %get3A_327 = arith.constant 0 : index
      %get3A_328 = tpu.vector_load %arg4[%get3A_325, %get3A_326, %get3A_327] {strides = array<i32>} : memref<25x8x128xf32, #tpu.memory_space<vmem>>, vector<1x1x16xf32>,
      %get3A_329 = vector.shape_cast %get3A_328 : vector<1x1x16xf32> to vector<16xf32>
      %add3A_330 = arith.addf %add3A_306, %get3A_329 : vector<16xf32>
      %get3A_331 = arith.constant 13 : i32
      %get3A_332 = arith.constant 2 : i32
      %get3A_333 = arith.index_cast %get3A_331 : i32 to index
      %get3A_334 = arith.index_cast %get3A_332 : i32 to index
      %get3A_335 = arith.constant 0 : index
      %get3A_336 = tpu.vector_load %arg4[%get3A_333, %get3A_334, %get3A_335] {strides = array<i32>} : memref<25x8x128xf32, #tpu.memory_space<vmem>>, vector<1x1x16xf32>,
      %get3A_337 = vector.shape_cast %get3A_336 : vector<1x1x16xf32> to vector<16xf32>
      %add3A_338 = arith.addf %add3A_314, %get3A_337 : vector<16xf32>
      %get3A_339 = arith.constant 14 : i32
      %get3A_340 = arith.constant 0 : i32
      %get3A_341 = arith.index_cast %get3A_339 : i32 to index
      %get3A_342 = arith.index_cast %get3A_340 : i32 to index
      %get3A_343 = arith.constant 0 : index
      %get3A_344 = tpu.vector_load %arg4[%get3A_341, %get3A_342, %get3A_343] {strides = array<i32>} : memref<25x8x128xf32, #tpu.memory_space<vmem>>, vector<1x1x16xf32>,
      %get3A_345 = vector.shape_cast %get3A_344 : vector<1x1x16xf32> to vector<16xf32>
      %add3A_346 = arith.addf %add3A_322, %get3A_345 : vector<16xf32>
      %get3A_347 = arith.constant 14 : i32
      %get3A_348 = arith.constant 1 : i32
      %get3A_349 = arith.index_cast %get3A_347 : i32 to index
      %get3A_350 = arith.index_cast %get3A_348 : i32 to index
      %get3A_351 = arith.constant 0 : index
      %get3A_352 = tpu.vector_load %arg4[%get3A_349, %get3A_350, %get3A_351] {strides = array<i32>} : memref<25x8x128xf32, #tpu.memory_space<vmem>>, vector<1x1x16xf32>,
      %get3A_353 = vector.shape_cast %get3A_352 : vector<1x1x16xf32> to vector<16xf32>
      %add3A_354 = arith.addf %add3A_330, %get3A_353 : vector<16xf32>
      %get3A_355 = arith.constant 14 : i32
      %get3A_356 = arith.constant 2 : i32
      %get3A_357 = arith.index_cast %get3A_355 : i32 to index
      %get3A_358 = arith.index_cast %get3A_356 : i32 to index
      %get3A_359 = arith.constant 0 : index
      %get3A_360 = tpu.vector_load %arg4[%get3A_357, %get3A_358, %get3A_359] {strides = array<i32>} : memref<25x8x128xf32, #tpu.memory_space<vmem>>, vector<1x1x16xf32>,
      %get3A_361 = vector.shape_cast %get3A_360 : vector<1x1x16xf32> to vector<16xf32>
      %add3A_362 = arith.addf %add3A_338, %get3A_361 : vector<16xf32>
      %get3A_363 = arith.constant 15 : i32
      %get3A_364 = arith.constant 0 : i32
      %get3A_365 = arith.index_cast %get3A_363 : i32 to index
      %get3A_366 = arith.index_cast %get3A_364 : i32 to index
      %get3A_367 = arith.constant 0 : index
      %get3A_368 = tpu.vector_load %arg4[%get3A_365, %get3A_366, %get3A_367] {strides = array<i32>} : memref<25x8x128xf32, #tpu.memory_space<vmem>>, vector<1x1x16xf32>,
      %get3A_369 = vector.shape_cast %get3A_368 : vector<1x1x16xf32> to vector<16xf32>
      %add3A_370 = arith.addf %add3A_346, %get3A_369 : vector<16xf32>
      %get3A_371 = arith.constant 15 : i32
      %get3A_372 = arith.constant 1 : i32
      %get3A_373 = arith.index_cast %get3A_371 : i32 to index
      %get3A_374 = arith.index_cast %get3A_372 : i32 to index
      %get3A_375 = arith.constant 0 : index
      %get3A_376 = tpu.vector_load %arg4[%get3A_373, %get3A_374, %get3A_375] {strides = array<i32>} : memref<25x8x128xf32, #tpu.memory_space<vmem>>, vector<1x1x16xf32>,
      %get3A_377 = vector.shape_cast %get3A_376 : vector<1x1x16xf32> to vector<16xf32>
      %add3A_378 = arith.addf %add3A_354, %get3A_377 : vector<16xf32>
      %get3A_379 = arith.constant 15 : i32
      %get3A_380 = arith.constant 2 : i32
      %get3A_381 = arith.index_cast %get3A_379 : i32 to index
      %get3A_382 = arith.index_cast %get3A_380 : i32 to index
      %get3A_383 = arith.constant 0 : index
      %get3A_384 = tpu.vector_load %arg4[%get3A_381, %get3A_382, %get3A_383] {strides = array<i32>} : memref<25x8x128xf32, #tpu.memory_space<vmem>>, vector<1x1x16xf32>,
      %get3A_385 = vector.shape_cast %get3A_384 : vector<1x1x16xf32> to vector<16xf32>
      %add3A_386 = arith.addf %add3A_362, %get3A_385 : vector<16xf32>
      %get3A_387 = arith.constant 16 : i32
      %get3A_388 = arith.constant 0 : i32
      %get3A_389 = arith.index_cast %get3A_387 : i32 to index
      %get3A_390 = arith.index_cast %get3A_388 : i32 to index
      %get3A_391 = arith.constant 0 : index
      %get3A_392 = tpu.vector_load %arg4[%get3A_389, %get3A_390, %get3A_391] {strides = array<i32>} : memref<25x8x128xf32, #tpu.memory_space<vmem>>, vector<1x1x16xf32>,
      %get3A_393 = vector.shape_cast %get3A_392 : vector<1x1x16xf32> to vector<16xf32>
      %add3A_394 = arith.addf %add3A_370, %get3A_393 : vector<16xf32>
      %get3A_395 = arith.constant 16 : i32
      %get3A_396 = arith.constant 1 : i32
      %get3A_397 = arith.index_cast %get3A_395 : i32 to index
      %get3A_398 = arith.index_cast %get3A_396 : i32 to index
      %get3A_399 = arith.constant 0 : index
      %get3A_400 = tpu.vector_load %arg4[%get3A_397, %get3A_398, %get3A_399] {strides = array<i32>} : memref<25x8x128xf32, #tpu.memory_space<vmem>>, vector<1x1x16xf32>,
      %get3A_401 = vector.shape_cast %get3A_400 : vector<1x1x16xf32> to vector<16xf32>
      %add3A_402 = arith.addf %add3A_378, %get3A_401 : vector<16xf32>
      %get3A_403 = arith.constant 16 : i32
      %get3A_404 = arith.constant 2 : i32
      %get3A_405 = arith.index_cast %get3A_403 : i32 to index
      %get3A_406 = arith.index_cast %get3A_404 : i32 to index
      %get3A_407 = arith.constant 0 : index
      %get3A_408 = tpu.vector_load %arg4[%get3A_405, %get3A_406, %get3A_407] {strides = array<i32>} : memref<25x8x128xf32, #tpu.memory_space<vmem>>, vector<1x1x16xf32>,
      %get3A_409 = vector.shape_cast %get3A_408 : vector<1x1x16xf32> to vector<16xf32>
      %add3A_410 = arith.addf %add3A_386, %get3A_409 : vector<16xf32>
      %get3A_411 = arith.constant 17 : i32
      %get3A_412 = arith.constant 0 : i32
      %get3A_413 = arith.index_cast %get3A_411 : i32 to index
      %get3A_414 = arith.index_cast %get3A_412 : i32 to index
      %get3A_415 = arith.constant 0 : index
      %get3A_416 = tpu.vector_load %arg4[%get3A_413, %get3A_414, %get3A_415] {strides = array<i32>} : memref<25x8x128xf32, #tpu.memory_space<vmem>>, vector<1x1x16xf32>,
      %get3A_417 = vector.shape_cast %get3A_416 : vector<1x1x16xf32> to vector<16xf32>
      %add3A_418 = arith.addf %add3A_394, %get3A_417 : vector<16xf32>
      %get3A_419 = arith.constant 17 : i32
      %get3A_420 = arith.constant 1 : i32
      %get3A_421 = arith.index_cast %get3A_419 : i32 to index
      %get3A_422 = arith.index_cast %get3A_420 : i32 to index
      %get3A_423 = arith.constant 0 : index
      %get3A_424 = tpu.vector_load %arg4[%get3A_421, %get3A_422, %get3A_423] {strides = array<i32>} : memref<25x8x128xf32, #tpu.memory_space<vmem>>, vector<1x1x16xf32>,
      %get3A_425 = vector.shape_cast %get3A_424 : vector<1x1x16xf32> to vector<16xf32>
      %add3A_426 = arith.addf %add3A_402, %get3A_425 : vector<16xf32>
      %get3A_427 = arith.constant 17 : i32
      %get3A_428 = arith.constant 2 : i32
      %get3A_429 = arith.index_cast %get3A_427 : i32 to index
      %get3A_430 = arith.index_cast %get3A_428 : i32 to index
      %get3A_431 = arith.constant 0 : index
      %get3A_432 = tpu.vector_load %arg4[%get3A_429, %get3A_430, %get3A_431] {strides = array<i32>} : memref<25x8x128xf32, #tpu.memory_space<vmem>>, vector<1x1x16xf32>,
      %get3A_433 = vector.shape_cast %get3A_432 : vector<1x1x16xf32> to vector<16xf32>
      %add3A_434 = arith.addf %add3A_410, %get3A_433 : vector<16xf32>
      %get3A_435 = arith.constant 18 : i32
      %get3A_436 = arith.constant 0 : i32
      %get3A_437 = arith.index_cast %get3A_435 : i32 to index
      %get3A_438 = arith.index_cast %get3A_436 : i32 to index
      %get3A_439 = arith.constant 0 : index
      %get3A_440 = tpu.vector_load %arg4[%get3A_437, %get3A_438, %get3A_439] {strides = array<i32>} : memref<25x8x128xf32, #tpu.memory_space<vmem>>, vector<1x1x16xf32>,
      %get3A_441 = vector.shape_cast %get3A_440 : vector<1x1x16xf32> to vector<16xf32>
      %add3A_442 = arith.addf %add3A_418, %get3A_441 : vector<16xf32>
      %get3A_443 = arith.constant 18 : i32
      %get3A_444 = arith.constant 1 : i32
      %get3A_445 = arith.index_cast %get3A_443 : i32 to index
      %get3A_446 = arith.index_cast %get3A_444 : i32 to index
      %get3A_447 = arith.constant 0 : index
      %get3A_448 = tpu.vector_load %arg4[%get3A_445, %get3A_446, %get3A_447] {strides = array<i32>} : memref<25x8x128xf32, #tpu.memory_space<vmem>>, vector<1x1x16xf32>,
      %get3A_449 = vector.shape_cast %get3A_448 : vector<1x1x16xf32> to vector<16xf32>
      %add3A_450 = arith.addf %add3A_426, %get3A_449 : vector<16xf32>
      %get3A_451 = arith.constant 18 : i32
      %get3A_452 = arith.constant 2 : i32
      %get3A_453 = arith.index_cast %get3A_451 : i32 to index
      %get3A_454 = arith.index_cast %get3A_452 : i32 to index
      %get3A_455 = arith.constant 0 : index
      %get3A_456 = tpu.vector_load %arg4[%get3A_453, %get3A_454, %get3A_455] {strides = array<i32>} : memref<25x8x128xf32, #tpu.memory_space<vmem>>, vector<1x1x16xf32>,
      %get3A_457 = vector.shape_cast %get3A_456 : vector<1x1x16xf32> to vector<16xf32>
      %add3A_458 = arith.addf %add3A_434, %get3A_457 : vector<16xf32>
      %get3A_459 = arith.constant 19 : i32
      %get3A_460 = arith.constant 0 : i32
      %get3A_461 = arith.index_cast %get3A_459 : i32 to index
      %get3A_462 = arith.index_cast %get3A_460 : i32 to index
      %get3A_463 = arith.constant 0 : index
      %get3A_464 = tpu.vector_load %arg4[%get3A_461, %get3A_462, %get3A_463] {strides = array<i32>} : memref<25x8x128xf32, #tpu.memory_space<vmem>>, vector<1x1x16xf32>,
      %get3A_465 = vector.shape_cast %get3A_464 : vector<1x1x16xf32> to vector<16xf32>
      %add3A_466 = arith.addf %add3A_442, %get3A_465 : vector<16xf32>
      %get3A_467 = arith.constant 19 : i32
      %get3A_468 = arith.constant 1 : i32
      %get3A_469 = arith.index_cast %get3A_467 : i32 to index
      %get3A_470 = arith.index_cast %get3A_468 : i32 to index
      %get3A_471 = arith.constant 0 : index
      %get3A_472 = tpu.vector_load %arg4[%get3A_469, %get3A_470, %get3A_471] {strides = array<i32>} : memref<25x8x128xf32, #tpu.memory_space<vmem>>, vector<1x1x16xf32>,
      %get3A_473 = vector.shape_cast %get3A_472 : vector<1x1x16xf32> to vector<16xf32>
      %add3A_474 = arith.addf %add3A_450, %get3A_473 : vector<16xf32>
      %get3A_475 = arith.constant 19 : i32
      %get3A_476 = arith.constant 2 : i32
      %get3A_477 = arith.index_cast %get3A_475 : i32 to index
      %get3A_478 = arith.index_cast %get3A_476 : i32 to index
      %get3A_479 = arith.constant 0 : index
      %get3A_480 = tpu.vector_load %arg4[%get3A_477, %get3A_478, %get3A_479] {strides = array<i32>} : memref<25x8x128xf32, #tpu.memory_space<vmem>>, vector<1x1x16xf32>,
      %get3A_481 = vector.shape_cast %get3A_480 : vector<1x1x16xf32> to vector<16xf32>
      %add3A_482 = arith.addf %add3A_458, %get3A_481 : vector<16xf32>
      %get3A_483 = arith.constant 20 : i32
      %get3A_484 = arith.constant 0 : i32
      %get3A_485 = arith.index_cast %get3A_483 : i32 to index
      %get3A_486 = arith.index_cast %get3A_484 : i32 to index
      %get3A_487 = arith.constant 0 : index
      %get3A_488 = tpu.vector_load %arg4[%get3A_485, %get3A_486, %get3A_487] {strides = array<i32>} : memref<25x8x128xf32, #tpu.memory_space<vmem>>, vector<1x1x16xf32>,
      %get3A_489 = vector.shape_cast %get3A_488 : vector<1x1x16xf32> to vector<16xf32>
      %add3A_490 = arith.addf %add3A_466, %get3A_489 : vector<16xf32>
      %get3A_491 = arith.constant 20 : i32
      %get3A_492 = arith.constant 1 : i32
      %get3A_493 = arith.index_cast %get3A_491 : i32 to index
      %get3A_494 = arith.index_cast %get3A_492 : i32 to index
      %get3A_495 = arith.constant 0 : index
      %get3A_496 = tpu.vector_load %arg4[%get3A_493, %get3A_494, %get3A_495] {strides = array<i32>} : memref<25x8x128xf32, #tpu.memory_space<vmem>>, vector<1x1x16xf32>,
      %get3A_497 = vector.shape_cast %get3A_496 : vector<1x1x16xf32> to vector<16xf32>
      %add3A_498 = arith.addf %add3A_474, %get3A_497 : vector<16xf32>
      %get3A_499 = arith.constant 20 : i32
      %get3A_500 = arith.constant 2 : i32
      %get3A_501 = arith.index_cast %get3A_499 : i32 to index
      %get3A_502 = arith.index_cast %get3A_500 : i32 to index
      %get3A_503 = arith.constant 0 : index
      %get3A_504 = tpu.vector_load %arg4[%get3A_501, %get3A_502, %get3A_503] {strides = array<i32>} : memref<25x8x128xf32, #tpu.memory_space<vmem>>, vector<1x1x16xf32>,
      %get3A_505 = vector.shape_cast %get3A_504 : vector<1x1x16xf32> to vector<16xf32>
      %add3A_506 = arith.addf %add3A_482, %get3A_505 : vector<16xf32>
      %get3A_507 = arith.constant 21 : i32
      %get3A_508 = arith.constant 0 : i32
      %get3A_509 = arith.index_cast %get3A_507 : i32 to index
      %get3A_510 = arith.index_cast %get3A_508 : i32 to index
      %get3A_511 = arith.constant 0 : index
      %get3A_512 = tpu.vector_load %arg4[%get3A_509, %get3A_510, %get3A_511] {strides = array<i32>} : memref<25x8x128xf32, #tpu.memory_space<vmem>>, vector<1x1x16xf32>,
      %get3A_513 = vector.shape_cast %get3A_512 : vector<1x1x16xf32> to vector<16xf32>
      %add3A_514 = arith.addf %add3A_490, %get3A_513 : vector<16xf32>
      %get3A_515 = arith.constant 21 : i32
      %get3A_516 = arith.constant 1 : i32
      %get3A_517 = arith.index_cast %get3A_515 : i32 to index
      %get3A_518 = arith.index_cast %get3A_516 : i32 to index
      %get3A_519 = arith.constant 0 : index
      %get3A_520 = tpu.vector_load %arg4[%get3A_517, %get3A_518, %get3A_519] {strides = array<i32>} : memref<25x8x128xf32, #tpu.memory_space<vmem>>, vector<1x1x16xf32>,
      %get3A_521 = vector.shape_cast %get3A_520 : vector<1x1x16xf32> to vector<16xf32>
      %add3A_522 = arith.addf %add3A_498, %get3A_521 : vector<16xf32>
      %get3A_523 = arith.constant 21 : i32
      %get3A_524 = arith.constant 2 : i32
      %get3A_525 = arith.index_cast %get3A_523 : i32 to index
      %get3A_526 = arith.index_cast %get3A_524 : i32 to index
      %get3A_527 = arith.constant 0 : index
      %get3A_528 = tpu.vector_load %arg4[%get3A_525, %get3A_526, %get3A_527] {strides = array<i32>} : memref<25x8x128xf32, #tpu.memory_space<vmem>>, vector<1x1x16xf32>,
      %get3A_529 = vector.shape_cast %get3A_528 : vector<1x1x16xf32> to vector<16xf32>
      %add3A_530 = arith.addf %add3A_506, %get3A_529 : vector<16xf32>
      %get3A_531 = arith.constant 22 : i32
      %get3A_532 = arith.constant 0 : i32
      %get3A_533 = arith.index_cast %get3A_531 : i32 to index
      %get3A_534 = arith.index_cast %get3A_532 : i32 to index
      %get3A_535 = arith.constant 0 : index
      %get3A_536 = tpu.vector_load %arg4[%get3A_533, %get3A_534, %get3A_535] {strides = array<i32>} : memref<25x8x128xf32, #tpu.memory_space<vmem>>, vector<1x1x16xf32>,
      %get3A_537 = vector.shape_cast %get3A_536 : vector<1x1x16xf32> to vector<16xf32>
      %add3A_538 = arith.addf %add3A_514, %get3A_537 : vector<16xf32>
      %get3A_539 = arith.constant 22 : i32
      %get3A_540 = arith.constant 1 : i32
      %get3A_541 = arith.index_cast %get3A_539 : i32 to index
      %get3A_542 = arith.index_cast %get3A_540 : i32 to index
      %get3A_543 = arith.constant 0 : index
      %get3A_544 = tpu.vector_load %arg4[%get3A_541, %get3A_542, %get3A_543] {strides = array<i32>} : memref<25x8x128xf32, #tpu.memory_space<vmem>>, vector<1x1x16xf32>,
      %get3A_545 = vector.shape_cast %get3A_544 : vector<1x1x16xf32> to vector<16xf32>
      %add3A_546 = arith.addf %add3A_522, %get3A_545 : vector<16xf32>
      %get3A_547 = arith.constant 22 : i32
      %get3A_548 = arith.constant 2 : i32
      %get3A_549 = arith.index_cast %get3A_547 : i32 to index
      %get3A_550 = arith.index_cast %get3A_548 : i32 to index
      %get3A_551 = arith.constant 0 : index
      %get3A_552 = tpu.vector_load %arg4[%get3A_549, %get3A_550, %get3A_551] {strides = array<i32>} : memref<25x8x128xf32, #tpu.memory_space<vmem>>, vector<1x1x16xf32>,
      %get3A_553 = vector.shape_cast %get3A_552 : vector<1x1x16xf32> to vector<16xf32>
      %add3A_554 = arith.addf %add3A_530, %get3A_553 : vector<16xf32>
      %get3A_555 = arith.constant 23 : i32
      %get3A_556 = arith.constant 0 : i32
      %get3A_557 = arith.index_cast %get3A_555 : i32 to index
      %get3A_558 = arith.index_cast %get3A_556 : i32 to index
      %get3A_559 = arith.constant 0 : index
      %get3A_560 = tpu.vector_load %arg4[%get3A_557, %get3A_558, %get3A_559] {strides = array<i32>} : memref<25x8x128xf32, #tpu.memory_space<vmem>>, vector<1x1x16xf32>,
      %get3A_561 = vector.shape_cast %get3A_560 : vector<1x1x16xf32> to vector<16xf32>
      %add3A_562 = arith.addf %add3A_538, %get3A_561 : vector<16xf32>
      %get3A_563 = arith.constant 23 : i32
      %get3A_564 = arith.constant 1 : i32
      %get3A_565 = arith.index_cast %get3A_563 : i32 to index
      %get3A_566 = arith.index_cast %get3A_564 : i32 to index
      %get3A_567 = arith.constant 0 : index
      %get3A_568 = tpu.vector_load %arg4[%get3A_565, %get3A_566, %get3A_567] {strides = array<i32>} : memref<25x8x128xf32, #tpu.memory_space<vmem>>, vector<1x1x16xf32>,
      %get3A_569 = vector.shape_cast %get3A_568 : vector<1x1x16xf32> to vector<16xf32>
      %add3A_570 = arith.addf %add3A_546, %get3A_569 : vector<16xf32>
      %get3A_571 = arith.constant 23 : i32
      %get3A_572 = arith.constant 2 : i32
      %get3A_573 = arith.index_cast %get3A_571 : i32 to index
      %get3A_574 = arith.index_cast %get3A_572 : i32 to index
      %get3A_575 = arith.constant 0 : index
      %get3A_576 = tpu.vector_load %arg4[%get3A_573, %get3A_574, %get3A_575] {strides = array<i32>} : memref<25x8x128xf32, #tpu.memory_space<vmem>>, vector<1x1x16xf32>,
      %get3A_577 = vector.shape_cast %get3A_576 : vector<1x1x16xf32> to vector<16xf32>
      %add3A_578 = arith.addf %add3A_554, %get3A_577 : vector<16xf32>
      %get3A_579 = arith.constant 24 : i32
      %get3A_580 = arith.constant 0 : i32
      %get3A_581 = arith.index_cast %get3A_579 : i32 to index
      %get3A_582 = arith.index_cast %get3A_580 : i32 to index
      %get3A_583 = arith.constant 0 : index
      %get3A_584 = tpu.vector_load %arg4[%get3A_581, %get3A_582, %get3A_583] {strides = array<i32>} : memref<25x8x128xf32, #tpu.memory_space<vmem>>, vector<1x1x16xf32>,
      %get3A_585 = vector.shape_cast %get3A_584 : vector<1x1x16xf32> to vector<16xf32>
      %add3A_586 = arith.addf %add3A_562, %get3A_585 : vector<16xf32>
      %get3A_587 = arith.constant 24 : i32
      %get3A_588 = arith.constant 1 : i32
      %get3A_589 = arith.index_cast %get3A_587 : i32 to index
      %get3A_590 = arith.index_cast %get3A_588 : i32 to index
      %get3A_591 = arith.constant 0 : index
      %get3A_592 = tpu.vector_load %arg4[%get3A_589, %get3A_590, %get3A_591] {strides = array<i32>} : memref<25x8x128xf32, #tpu.memory_space<vmem>>, vector<1x1x16xf32>,
      %get3A_593 = vector.shape_cast %get3A_592 : vector<1x1x16xf32> to vector<16xf32>
      %add3A_594 = arith.addf %add3A_570, %get3A_593 : vector<16xf32>
      %get3A_595 = arith.constant 24 : i32
      %get3A_596 = arith.constant 2 : i32
      %get3A_597 = arith.index_cast %get3A_595 : i32 to index
      %get3A_598 = arith.index_cast %get3A_596 : i32 to index
      %get3A_599 = arith.constant 0 : index
      %get3A_600 = tpu.vector_load %arg4[%get3A_597, %get3A_598, %get3A_599] {strides = array<i32>} : memref<25x8x128xf32, #tpu.memory_space<vmem>>, vector<1x1x16xf32>,
      %get3A_601 = vector.shape_cast %get3A_600 : vector<1x1x16xf32> to vector<16xf32>
      %add3A_602 = arith.addf %add3A_578, %get3A_601 : vector<16xf32>
      %max3A = arith.constant 1.000000e+00 : f32
      %max3A_603 = vector.broadcast %max3A : f32 to vector<16xf32>
      %max3A_604 = arith.maximumf %add3A_586, %max3A_603 : vector<16xf32>
      %div3A = arith.divf %add3A_594, %max3A_604 : vector<16xf32>
      %div3A_605 = arith.divf %add3A_602, %max3A_604 : vector<16xf32>
      %sub3A = arith.subf %div3A, %div3A_605 : vector<16xf32>
      %abs3A = math.absf %sub3A : vector<16xf32>
      %div3A_606 = arith.constant 5.000000e+04 : f32
      %div3A_607 = vector.broadcast %div3A_606 : f32 to vector<16xf32>
      %div3A_608 = arith.divf %add3A_586, %div3A_607 : vector<16xf32>
      %mul3A_609 = arith.mulf %abs3A, %div3A_608 : vector<16xf32>
      %gt3A = arith.constant 0.000000e+00 : f32
      %gt3A_610 = vector.broadcast %gt3A : f32 to vector<16xf32>
      %gt3A_611 = arith.cmpf ogt, %add3A_586, %gt3A_610 : vector<16xf32>
      %jit3A = arith.constant 0.000000e+00 : f32
      %broadcast_in_dim3A_612 = vector.broadcast %jit3A : f32 to vector<16xf32>
      %select_n3A = arith.select %gt3A_611, %mul3A_609, %broadcast_in_dim3A_612 : vector<16xi1>, vector<16xf32>
      %xor3A = arith.constant 1 : i32
      %xor3A_613 = vector.broadcast %xor3A : i32 to vector<16xi32>
      %xor3A_614 = arith.xori %iota3A, %xor3A_613 : vector<16xi32>
      %broadcast_in_dim3A_615 = vector.shape_cast %xor3A_614 : vector<16xi32> to vector<16x1xi32>
      %gather3A = vector.shape_cast %broadcast_in_dim3A_615 : vector<16x1xi32> to vector<16xi32>
      %gather3A_616 = tpu.dynamic_gather %select_n3A[%gather3A] in [0] : vector<16xf32>, vector<16xi32> -> vector<16xf32>
      %add3A_617 = arith.addf %select_n3A, %gather3A_616 : vector<16xf32>
      %xor3A_618 = arith.constant 2 : i32
      %xor3A_619 = vector.broadcast %xor3A_618 : i32 to vector<16xi32>
      %xor3A_620 = arith.xori %iota3A, %xor3A_619 : vector<16xi32>
      %broadcast_in_dim3A_621 = vector.shape_cast %xor3A_620 : vector<16xi32> to vector<16x1xi32>
      %gather3A_622 = vector.shape_cast %broadcast_in_dim3A_621 : vector<16x1xi32> to vector<16xi32>
      %gather3A_623 = tpu.dynamic_gather %add3A_617[%gather3A_622] in [0] : vector<16xf32>, vector<16xi32> -> vector<16xf32>
      %add3A_624 = arith.addf %add3A_617, %gather3A_623 : vector<16xf32>
      %xor3A_625 = arith.constant 4 : i32
      %xor3A_626 = vector.broadcast %xor3A_625 : i32 to vector<16xi32>
      %xor3A_627 = arith.xori %iota3A, %xor3A_626 : vector<16xi32>
      %broadcast_in_dim3A_628 = vector.shape_cast %xor3A_627 : vector<16xi32> to vector<16x1xi32>
      %gather3A_629 = vector.shape_cast %broadcast_in_dim3A_628 : vector<16x1xi32> to vector<16xi32>
      %gather3A_630 = tpu.dynamic_gather %add3A_624[%gather3A_629] in [0] : vector<16xf32>, vector<16xi32> -> vector<16xf32>
      %add3A_631 = arith.addf %add3A_624, %gather3A_630 : vector<16xf32>
      %xor3A_632 = arith.constant 8 : i32
      %xor3A_633 = vector.broadcast %xor3A_632 : i32 to vector<16xi32>
      %xor3A_634 = arith.xori %iota3A, %xor3A_633 : vector<16xi32>
      %broadcast_in_dim3A_635 = vector.shape_cast %xor3A_634 : vector<16xi32> to vector<16x1xi32>
      %gather3A_636 = vector.shape_cast %broadcast_in_dim3A_635 : vector<16x1xi32> to vector<16xi32>
      %gather3A_637 = tpu.dynamic_gather %add3A_631[%gather3A_636] in [0] : vector<16xf32>, vector<16xi32> -> vector<16xf32>
      %add3A_638 = arith.addf %add3A_631, %gather3A_637 : vector<16xf32>
      %swap3A = arith.constant 0 : index
      %swap3A_639 = tpu.vector_load %arg5[%swap3A] {strides = array<i32>} : memref<16xf32, #tpu.memory_space<vmem>>, vector<16xf32>,
      %swap3A_640 = vector.shape_cast %swap3A_639 : vector<16xf32> to vector<16xf32>
      %swap3A_641 = vector.shape_cast %add3A_638 : vector<16xf32> to vector<16xf32>
      tpu.vector_store %arg5[%swap3A], %swap3A_641 {strides = array<i32>} : memref<16xf32, #tpu.memory_space<vmem>>, vector<16xf32>,
      "tpu.region"() ({
        %run_scoped3A = tpu.sem_alloc : memref<!tpu.dma_semaphore, #tpu.memory_space<semaphore_mem>>
        tpu.enqueue_dma source(%arg5 : memref<16xf32, #tpu.memory_space<vmem>>) target(%arg3 : memref<16xf32, #tpu.memory_space<hbm>>) target_semaphore(%run_scoped3A : memref<!tpu.dma_semaphore, #tpu.memory_space<semaphore_mem>>)
        tpu.wait_dma2 semaphore(%run_scoped3A : memref<!tpu.dma_semaphore, #tpu.memory_space<semaphore_mem>>) src(%arg5 : memref<16xf32, #tpu.memory_space<vmem>>) dst(%arg3 : memref<16xf32, #tpu.memory_space<hbm>>)
        tpu.yield
      }) : () -> ()
    } else {
    }
    return
  }
}

module attributes {stable_mosaic.version = 14 : i64} {
  func.func @_tc_body(%arg0: i32, %arg1: memref<2000x1000xf32, #tpu.memory_space<vmem>>, %arg2: memref<1x1x2000xi32, #tpu.memory_space<vmem>>, %arg3: memref<1x8x128xf32, #tpu.memory_space<vmem>>) attributes {dimension_semantics = [#tpu.dimension_semantics<parallel>], iteration_bounds = array<i64: 25>, scalar_prefetch = 0 : i64, scratch_operands = 0 : i64, tpu.core_type = #tpu.core_type<tc>, window_params = [{transform_indices = @transform_0, window_bounds = array<i64: 2000, 1000>}, {transform_indices = @transform_1, window_bounds = array<i64: 1, 1, 2000>}, {transform_indices = @transform_2, window_bounds = array<i64: 1, 8, 128>}]} {
    %get3A = arith.constant 0 : index
    %get3A_0 = arith.constant 0 : index
    %get3A_1 = vector.load %arg1[%get3A, %get3A_0] : memref<2000x1000xf32, #tpu.memory_space<vmem>>, vector<2000x1000xf32>
    %reduce_max3A = arith.constant dense<0xFF800000> : vector<2000xf32>
    %reduce_max3A_2 = vector.multi_reduction <maximumf>, %get3A_1, %reduce_max3A [1] : vector<2000x1000xf32> to vector<2000xf32>
    %broadcast_in_dim3A = vector.shape_cast %reduce_max3A_2 : vector<2000xf32> to vector<2000x1xf32>
    %exp3A = math.exp %get3A_1 : vector<2000x1000xf32>
    %reduce_sum3A = arith.constant dense<0.000000e+00> : vector<2000xf32>
    %reduce_sum3A_3 = vector.multi_reduction <add>, %exp3A, %reduce_sum3A [1] : vector<2000x1000xf32> to vector<2000xf32>
    %broadcast_in_dim3A_4 = vector.shape_cast %reduce_sum3A_3 : vector<2000xf32> to vector<2000x1xf32>
    %exp3A_5 = math.exp %broadcast_in_dim3A : vector<2000x1xf32>
    %div3A = arith.divf %exp3A_5, %broadcast_in_dim3A_4 : vector<2000x1xf32>
    %squeeze3A = vector.shape_cast %div3A : vector<2000x1xf32> to vector<2000xf32>
    %iota3A = tpu.iota {dimensions = array<i32: 1>} : vector<2000x1000xi32>
    %get3A_6 = arith.constant 0 : index
    %get3A_7 = arith.constant 0 : index
    %get3A_8 = arith.constant 0 : index
    %get3A_9 = vector.load %arg2[%get3A_6, %get3A_7, %get3A_8] : memref<1x1x2000xi32, #tpu.memory_space<vmem>>, vector<1x1x2000xi32>
    %get3A_10 = vector.shape_cast %get3A_9 : vector<1x1x2000xi32> to vector<2000xi32>
    %broadcast_in_dim3A_11 = vector.shape_cast %get3A_10 : vector<2000xi32> to vector<2000x1xi32>
    %eq3A = vector.broadcast %broadcast_in_dim3A_11 : vector<2000x1xi32> to vector<2000x1000xi32>
    %eq3A_12 = arith.cmpi eq, %iota3A, %eq3A : vector<2000x1000xi32>
    %jit3A = arith.constant 0xFF800000 : f32
    %broadcast_in_dim3A_13 = vector.broadcast %jit3A : f32 to vector<2000x1000xf32>
    %select_n3A = arith.select %eq3A_12, %get3A_1, %broadcast_in_dim3A_13 : vector<2000x1000xi1>, vector<2000x1000xf32>
    %reduce_max3A_14 = arith.constant dense<0xFF800000> : vector<2000xf32>
    %reduce_max3A_15 = vector.multi_reduction <maximumf>, %select_n3A, %reduce_max3A_14 [1] : vector<2000x1000xf32> to vector<2000xf32>
    %broadcast_in_dim3A_16 = vector.shape_cast %reduce_max3A_15 : vector<2000xf32> to vector<2000x1xf32>
    %eq3A_17 = arith.cmpf oeq, %broadcast_in_dim3A_16, %broadcast_in_dim3A : vector<2000x1xf32>
    %convert_element_type3A = arith.extui %eq3A_17 : vector<2000x1xi1> to vector<2000x1xi32>
    %convert_element_type3A_18 = arith.sitofp %convert_element_type3A : vector<2000x1xi32> to vector<2000x1xf32>
    %squeeze3A_19 = vector.shape_cast %convert_element_type3A_18 : vector<2000x1xf32> to vector<2000xf32>
    %div3A_20 = arith.constant 1.000000e+00 : f32
    %div3A_21 = arith.constant 1.500000e+01 : f32
    %div3A_22 = arith.divf %div3A_20, %div3A_21 : f32
    %iota3A_23 = tpu.iota {dimensions = array<i32: 1>} : vector<1x15xi32>
    %convert_element_type3A_24 = arith.sitofp %iota3A_23 : vector<1x15xi32> to vector<1x15xf32>
    %mul3A = vector.broadcast %div3A_22 : f32 to vector<1x15xf32>
    %mul3A_25 = arith.mulf %convert_element_type3A_24, %mul3A : vector<1x15xf32>
    %add3A = arith.constant 1.000000e+00 : f32
    %add3A_26 = vector.broadcast %add3A : f32 to vector<1x15xf32>
    %add3A_27 = arith.addf %convert_element_type3A_24, %add3A_26 : vector<1x15xf32>
    %mul3A_28 = vector.broadcast %div3A_22 : f32 to vector<1x15xf32>
    %mul3A_29 = arith.mulf %add3A_27, %mul3A_28 : vector<1x15xf32>
    %broadcast_in_dim3A_30 = vector.shape_cast %squeeze3A : vector<2000xf32> to vector<2000x1xf32>
    %gt3A = vector.broadcast %broadcast_in_dim3A_30 : vector<2000x1xf32> to vector<2000x15xf32>
    %gt3A_31 = vector.broadcast %mul3A_25 : vector<1x15xf32> to vector<2000x15xf32>
    %gt3A_32 = arith.cmpf ogt, %gt3A, %gt3A_31 : vector<2000x15xf32>
    %le3A = vector.broadcast %broadcast_in_dim3A_30 : vector<2000x1xf32> to vector<2000x15xf32>
    %le3A_33 = vector.broadcast %mul3A_29 : vector<1x15xf32> to vector<2000x15xf32>
    %le3A_34 = arith.cmpf ole, %le3A, %le3A_33 : vector<2000x15xf32>
    %and3A = arith.andi %gt3A_32, %le3A_34 : vector<2000x15xi1>
    %convert_element_type3A_35 = arith.extui %and3A : vector<2000x15xi1> to vector<2000x15xi32>
    %convert_element_type3A_36 = arith.sitofp %convert_element_type3A_35 : vector<2000x15xi32> to vector<2000x15xf32>
    %broadcast_in_dim3A_37 = arith.constant 0.000000e+00 : f32
    %broadcast_in_dim3A_38 = vector.broadcast %broadcast_in_dim3A_37 : f32 to vector<1x8x128xf32>
    %swap3A = arith.constant 0 : index
    %swap3A_39 = arith.constant 0 : index
    %swap3A_40 = arith.constant 0 : index
    %swap3A_41 = vector.load %arg3[%swap3A, %swap3A_39, %swap3A_40] : memref<1x8x128xf32, #tpu.memory_space<vmem>>, vector<1x8x128xf32>
    tpu.vector_store %arg3[%swap3A, %swap3A_39, %swap3A_40], %broadcast_in_dim3A_38 {strides = array<i32>} : memref<1x8x128xf32, #tpu.memory_space<vmem>>, vector<1x8x128xf32>,
    %reduce_sum3A_42 = arith.constant dense<0.000000e+00> : vector<15xf32>
    %reduce_sum3A_43 = vector.multi_reduction <add>, %convert_element_type3A_36, %reduce_sum3A_42 [0] : vector<2000x15xf32> to vector<15xf32>
    %broadcast_in_dim3A_44 = vector.shape_cast %reduce_sum3A_43 : vector<15xf32> to vector<1x15xf32>
    %swap3A_45 = arith.constant 0 : index
    %swap3A_46 = arith.constant 0 : index
    %swap3A_47 = arith.constant 0 : index
    %swap3A_48 = vector.load %arg3[%swap3A_45, %swap3A_46, %swap3A_47] : memref<1x8x128xf32, #tpu.memory_space<vmem>>, vector<1x1x15xf32>
    %swap3A_49 = vector.shape_cast %swap3A_48 : vector<1x1x15xf32> to vector<1x15xf32>
    %swap3A_50 = vector.shape_cast %broadcast_in_dim3A_44 : vector<1x15xf32> to vector<1x1x15xf32>
    tpu.vector_store %arg3[%swap3A_45, %swap3A_46, %swap3A_47], %swap3A_50 {strides = array<i32>} : memref<1x8x128xf32, #tpu.memory_space<vmem>>, vector<1x1x15xf32>,
    %mul3A_51 = vector.broadcast %broadcast_in_dim3A_30 : vector<2000x1xf32> to vector<2000x15xf32>
    %mul3A_52 = arith.mulf %convert_element_type3A_36, %mul3A_51 : vector<2000x15xf32>
    %reduce_sum3A_53 = arith.constant dense<0.000000e+00> : vector<15xf32>
    %reduce_sum3A_54 = vector.multi_reduction <add>, %mul3A_52, %reduce_sum3A_53 [0] : vector<2000x15xf32> to vector<15xf32>
    %broadcast_in_dim3A_55 = vector.shape_cast %reduce_sum3A_54 : vector<15xf32> to vector<1x15xf32>
    %swap3A_56 = arith.constant 0 : index
    %swap3A_57 = arith.constant 1 : index
    %swap3A_58 = arith.constant 0 : index
    %swap3A_59 = vector.load %arg3[%swap3A_56, %swap3A_57, %swap3A_58] : memref<1x8x128xf32, #tpu.memory_space<vmem>>, vector<1x1x15xf32>
    %swap3A_60 = vector.shape_cast %swap3A_59 : vector<1x1x15xf32> to vector<1x15xf32>
    %swap3A_61 = vector.shape_cast %broadcast_in_dim3A_55 : vector<1x15xf32> to vector<1x1x15xf32>
    tpu.vector_store %arg3[%swap3A_56, %swap3A_57, %swap3A_58], %swap3A_61 {strides = array<i32>} : memref<1x8x128xf32, #tpu.memory_space<vmem>>, vector<1x1x15xf32>,
    %broadcast_in_dim3A_62 = vector.shape_cast %squeeze3A_19 : vector<2000xf32> to vector<2000x1xf32>
    %mul3A_63 = vector.broadcast %broadcast_in_dim3A_62 : vector<2000x1xf32> to vector<2000x15xf32>
    %mul3A_64 = arith.mulf %convert_element_type3A_36, %mul3A_63 : vector<2000x15xf32>
    %reduce_sum3A_65 = arith.constant dense<0.000000e+00> : vector<15xf32>
    %reduce_sum3A_66 = vector.multi_reduction <add>, %mul3A_64, %reduce_sum3A_65 [0] : vector<2000x15xf32> to vector<15xf32>
    %broadcast_in_dim3A_67 = vector.shape_cast %reduce_sum3A_66 : vector<15xf32> to vector<1x15xf32>
    %swap3A_68 = arith.constant 0 : index
    %swap3A_69 = arith.constant 2 : index
    %swap3A_70 = arith.constant 0 : index
    %swap3A_71 = vector.load %arg3[%swap3A_68, %swap3A_69, %swap3A_70] : memref<1x8x128xf32, #tpu.memory_space<vmem>>, vector<1x1x15xf32>
    %swap3A_72 = vector.shape_cast %swap3A_71 : vector<1x1x15xf32> to vector<1x15xf32>
    %swap3A_73 = vector.shape_cast %broadcast_in_dim3A_67 : vector<1x15xf32> to vector<1x1x15xf32>
    tpu.vector_store %arg3[%swap3A_68, %swap3A_69, %swap3A_70], %swap3A_73 {strides = array<i32>} : memref<1x8x128xf32, #tpu.memory_space<vmem>>, vector<1x1x15xf32>,
    return
  }
  func.func @transform_0(%arg0: i32) -> (i32, i32) {
    %c0_i32 = arith.constant 0 : i32
    %c0_i32_0 = arith.constant 0 : i32
    return %arg0, %c0_i32 : i32, i32
  }
  func.func @transform_1(%arg0: i32) -> (i32, i32, i32) {
    %c0_i32 = arith.constant 0 : i32
    %c0_i32_0 = arith.constant 0 : i32
    %c0_i32_1 = arith.constant 0 : i32
    return %arg0, %c0_i32, %c0_i32_0 : i32, i32, i32
  }
  func.func @transform_2(%arg0: i32) -> (i32, i32, i32) {
    %c0_i32 = arith.constant 0 : i32
    %c0_i32_0 = arith.constant 0 : i32
    %c0_i32_1 = arith.constant 0 : i32
    return %arg0, %c0_i32, %c0_i32_0 : i32, i32, i32
  }
}

</mosaic_0001>

<sc_bundles>
// kernel: kernel.4.cloned.1.call-start
scs
__scs_entry_jumppad:
0x0: {  	(pc) =	sbr.rel $0x88, $3  }
0x1: {  	(tag) =	ssettag $0x0;
	lr =	simm.s32 $0x1  }
0x2: {  	[smem:$0x3F9F] =	sst lr;
	_ =	strace $0xD0000000  }
0x3: {  	_ = 	snop  }
0x4: {  	_ = 	snop  }
0x5: {  	_ = 	snop  }
0x6: {  	_ = 	snop  }
0x7: {  	_ = 	snop  }
__scs_overlays_trampoline_lowered:
0x8: {  	[smem:$0x3FAE] =	sst s0  }
0x9: {  	[smem:$0x3FAF] =	sst s1  }
0xa: {  	[smem:$0x3FB0] =	sst s2  }
0xb: {  	[smem:$0x3FB1] =	sst s3  }
0xc: {  	[smem:$0x3FB2] =	sst s4  }
0xd: {  	[smem:$0x3FB3] =	sst s5  }
0xe: {  	[smem:$0x3FB4] =	sst s6  }
0xf: {  	[smem:$0x3FB5] =	sst s7  }
0x10: {  	[smem:$0x3FB6] =	sst s8  }
0x11: {  	[smem:$0x3FB7] =	sst s9;
	s0 =	simm.s32 @!p0 $0x0  }
0x12: {  	s1 =	sld [smem:$0x3F9D];
	s0 =	simm.s32 @p0 $0x1  }
0x13: {  	[smem:$0x3FB8] =	sst s0;
	s0 =	simm.s32 @!p1 $0x0  }
0x14: {  	s2 =	sld [smem:$0x3F9C];
	s0 =	simm.s32 @p1 $0x1  }
0x15: {  	[smem:$0x3FB9] =	sst s0;
	s0 =	simm.s32 @!p2 $0x0  }
0x16: {  	s3 =	sld [smem:$0x3FDB];
	s0 =	simm.s32 @p2 $0x1  }
0x17: {  	s4 =	simm.s32 $0x1BF5;
	[smem:$0x3FBB] =	sst s0  }
0x18: {  	s0 =	sld [smem:$0x3F9E];
	_ =	swait.ge [sflag:s4], $0x0  }
0x19: {  	s7 =	sld [smem:$0x3F9F]  }
0x1a: {  	s8 =	sadd.s32 $0xFFFFE003, lr  }
0x1b: {  	s9 =	sadd.s32 $0xFFFFFEF7, lr;
	s5 =	simm.s32 $0xFFFFFFFF;
	p2 =	slt.u32 s8, $0xFFFFF086  }
0x1c: {  	p1 =	slt.u32 s9, $0xF7A;
	s5 =	simm.s32 @!p2 $0x0  }
0x1d: {  	s5 =	simm.s32 @p1 $0x1;
	p0 =	seq.s32 s7, s2  }
0x1e: {  	s7 =	smul.u32 @!p0 $0xF7A, s2;
	p2 =	seq.s32 @!p0 s5, $0x0  }
0x1f: {  	s9 =	smul.u32 $0xF7A, s1;
	s8 =	simm.s32 @!p0 $0x1BF5;
	p2 =	por !p2, p0  }
0x20: {  	[sflag:s8] =	ssyncset.s32 @!p0 $0xFFFFF086;
	s6 =	sadd.s32 @!p0 s3, s7;
	s7 =	simm.s32 @!p0 $0x108  }
0x21: {  	s3 =	sadd.s32 s3, s9;
	s6 =	sadd.s32 @!p0 $0x88, s6;
	s7 =	simm.s32 @p2 $0x1082  }
0x22: {  	[simem:s7], [sflag:s8] =	dma.local @!p0 [hbm:s6], $0xF7A  }
0x23: {  	s9 =	sor.u32 $0xD0000000, s2;
	s6 =	simm.s32 $0x108;
	_ =	swait.ge @!p0 [sflag:s8], $0x0  }
0x24: {  	s3 =	sadd.s32 $0x88, s3;
	s6 =	simm.s32 @!p1 $0x1082;
	[sflag:s4] =	ssyncset.s32 $0xFFFFF086  }
0x25: {  	[simem:s6], [sflag:s4] =	dma.local [hbm:s3], $0xF7A  }
0x26: {  	[smem:$0x3F9F] =	sst s1;
	(tag) =	ssettag s2;
	_ =	strace s9  }
0x27: {  	s1 =	sld [smem:$0x3FAF]  }
0x28: {  	s2 =	sld [smem:$0x3FB0]  }
0x29: {  	s4 =	sld [smem:$0x3FB2]  }
0x2a: {  	p0 =	seq.s32 s5, $0x0;
	s5 =	sld [smem:$0x3FB3]  }
0x2b: {  	s6 =	sld [smem:$0x3FB4]  }
0x2c: {  	s7 =	sld [smem:$0x3FB5]  }
0x2d: {  	s3 =	simm.s32 $0x108;
	s8 =	sld [smem:$0x3FB6]  }
0x2e: {  	s3 =	simm.s32 @!p0 $0x1082;
	s9 =	sld [smem:$0x3FB7]  }
0x2f: {  	lr =	sadd.s32 s0, s3;
	s0 =	sld [smem:$0x3FAE]  }
0x30: {  	s3 =	sld [smem:$0x3FB1]  }
0x31: {  	[smem:$0x3FBA] =	sst s10  }
0x32: {  	s10 =	sld [smem:$0x3FB8];
	_ =	sdelay $0x3  }
0x33: {  	p0 =	seq.s32 s10, $0x1;
	s10 =	sld [smem:$0x3FBA];
	_ =	sdelay $0x3  }
0x34: {  	[smem:$0x3FBA] =	sst s10  }
0x35: {  	s10 =	sld [smem:$0x3FB9];
	_ =	sdelay $0x3  }
0x36: {  	p1 =	seq.s32 s10, $0x1;
	s10 =	sld [smem:$0x3FBA];
	_ =	sdelay $0x3  }
0x37: {  	[smem:$0x3FBA] =	sst s10  }
0x38: {  	s10 =	sld [smem:$0x3FBB]  }
0x39: {  	_ = 	snop;
	(pc) =	sbr.ind lr, $3  }
0x3a: {  	_ = 	snop  }
0x3b: {  	_ = 	snop  }
0x3c: {  	p2 =	seq.s32 s10, $0x1;
	s10 =	sld [smem:$0x3FBA]  }
0x3d: {  	_ =	shalt  }
0x3e: {  	_ =	shalt  }
0x3f: {  	_ =	shalt  }
0x40: {  	_ =	shalt  }
0x41: {  	_ =	shalt  }
0x42: {  	_ =	shalt  }
0x43: {  	_ =	shalt  }
0x44: {  	_ =	shalt  }
0x45: {  	_ =	shalt  }
0x46: {  	_ =	shalt  }
0x47: {  	_ =	shalt  }
0x48: {  	_ =	shalt  }
0x49: {  	_ =	shalt  }
0x4a: {  	_ =	shalt  }
0x4b: {  	_ =	shalt  }
0x4c: {  	_ =	shalt  }
0x4d: {  	_ =	shalt  }
0x4e: {  	_ =	shalt  }
0x4f: {  	_ =	shalt  }
0x50: {  	_ =	shalt  }
0x51: {  	_ =	shalt  }
0x52: {  	_ =	shalt  }
0x53: {  	_ =	shalt  }
0x54: {  	_ =	shalt  }
0x55: {  	_ =	shalt  }
0x56: {  	_ =	shalt  }
0x57: {  	_ =	shalt  }
0x58: {  	_ =	shalt  }
0x59: {  	_ =	shalt  }
0x5a: {  	_ =	shalt  }
0x5b: {  	_ =	shalt  }
0x5c: {  	_ =	shalt  }
0x5d: {  	_ =	shalt  }
0x5e: {  	_ =	shalt  }
0x5f: {  	_ =	shalt  }
0x60: {  	_ =	shalt  }
0x61: {  	_ =	shalt  }
0x62: {  	_ =	shalt  }
0x63: {  	_ =	shalt  }
0x64: {  	_ =	shalt  }
0x65: {  	_ =	shalt  }
0x66: {  	_ =	shalt  }
0x67: {  	_ =	shalt  }
0x68: {  	_ =	shalt  }
0x69: {  	_ =	shalt  }
0x6a: {  	_ =	shalt  }
0x6b: {  	_ =	shalt  }
0x6c: {  	_ =	shalt  }
0x6d: {  	_ =	shalt  }
0x6e: {  	_ =	shalt  }
0x6f: {  	_ =	shalt  }
0x70: {  	_ =	shalt  }
0x71: {  	_ =	shalt  }
0x72: {  	_ =	shalt  }
0x73: {  	_ =	shalt  }
0x74: {  	_ =	shalt  }
0x75: {  	_ =	shalt  }
0x76: {  	_ =	shalt  }
0x77: {  	_ =	shalt  }
0x78: {  	_ =	shalt  }
0x79: {  	_ =	shalt  }
0x7a: {  	_ =	shalt  }
0x7b: {  	_ =	shalt  }
0x7c: {  	_ =	shalt  }
0x7d: {  	_ =	shalt  }
0x7e: {  	_ =	shalt  }
0x7f: {  	_ =	shalt  }
0x80: {  	_ =	shalt  }
0x81: {  	_ =	shalt  }
0x82: {  	_ =	shalt  }
0x83: {  	_ =	shalt  }
0x84: {  	_ =	shalt  }
0x85: {  	_ =	shalt  }
0x86: {  	_ =	shalt  }
0x87: {  	_ =	shalt  }
.Lfunc_end0:
.L_simem_size_0:
called_computation_lowered:
.L_overlay_start_0:
0x88: {  	s2 =	sld [smem:$0x3FD9]  }
0x89: {  	s3 =	sld [smem:$0x3FFE];
	_ =	sdelay $0x1  }
0x8a: {  	s1 =	srdreg.scid  }
0x8b: {  	s0 =	sand.u32 $0x1, s1  }
0x8c: {  	s17 =	sshll.u32 s0, $0xA;
	s2 =	sadd.s32 s3, s2  }
0x8d: {  	s2 =	sadd.s32 s2, s17  }
0x8e: {  	[smem:$0x3FC6] =	sst s2  }
0x8f: {  	_ = 	snop  }
0x90: {  	s2 =	sld [smem:$0x3FD0];
	(tm) =	ssettm $0x1  }
0x91: {  	s18 =	sld [smem:$0x3FFB];
	_ =	sdelay $0x3  }
0x92: {  	_ =	strace s18  }
0x93: {  	s3 =	sld [smem:$0x3FFC];
	_ =	sdelay $0x3  }
0x94: {  	_ =	strace s3  }
0x95: {  	s3 =	sld [smem:$0x3FFD];
	_ =	sdelay $0x3  }
0x96: {  	_ =	strace s3  }
0x97: {  	_ =	strace $0x8FFFFFFF  }
0x98: {  	s19 =	sld [smem:$0x3FDB];
	_ =	sdelay $0x1  }
0x99: {  	s4 =	simm.s32 $_scs_section_size  }
0x9a: {  	s5 =	simm.s32 $_size__tile_overlayer_lowered;
	s6 =	simm.s32 $_tile_overlayer_lowered  }
0x9b: {  	s22 =	simm.s32 $0x1BFF;
	s21 =	sshll.u32 s6, $0x1;
	s3 =	sadd.s32 s4, s19  }
0x9c: {  	s7 =	simm.s32 $0x0;
	s20 =	sshll.u32 s5, $0x1;
	s5 =	sadd.s32 s21, s3  }
0x9d: {  	[timem:s7], [sflag:s22] =	dma.local [hbm:s5], s20  }
0x9e: {  	_ =	swait.ge [sflag:s22], s20  }
0x9f: {  	s4 =	ssub.s32 $0x0, s20;
	[sflag:s22] =	ssyncset.done $0x0  }
0xa0: {  	[sflag:s22] =	ssyncadd.s32 s4;
	_ =	sdelay $0x1  }
0xa1: {  	s23 =	simm.s32 $0x1B8B  }
0xa2: {  	_ =	swait.ge [sflag:s23], $0x1  }
0xa3: {  	[sflag:s23] =	ssyncset.done $0x0  }
0xa4: {  	s25 =	simm.s32 $0x1B8E;
	s24 =	sld [smem:$0x3FFE];
	[sflag:s23] =	ssyncadd.s32 $0xFFFFFFFF  }
0xa5: {  	s26 =	simm.s32 $execute0_lowered;
	[smem:$0x3FD2] =	sst s25  }
0xa6: {  	s5 =	sshll.u32 s26, $0x1;
	_ =	strace $0x80000046;
	[dreg:$0x1] =	wrdreg $0xFFFFFFFF  }
0xa7: {  	s28 =	simm.s32 $_size_execute0_lowered;
	s3 =	sadd.s32 s3, s5;
	[dreg:$0x0] =	wrdreg $0x0  }
0xa8: {  	s5 =	sshll.u32 s28, $0x1;
	[dreg:$0x2] =	wrdreg s3  }
0xa9: {  	[dreg:$0x3] =	wrdreg s5  }
0xaa: {  	[dreg:$0x4] =	wrdreg $0xC0  }
0xab: {  	_ =	task [dreg:s7], $0x5FFFF  }
0xac: {  	[dreg:$0x1] =	wrdreg $0xFFFFFFFF  }
0xad: {  	[dreg:$0x0] =	wrdreg $0x60  }
0xae: {  	[dreg:$0x2] =	wrdreg s24  }
0xaf: {  	[dreg:$0x3] =	wrdreg s2  }
0xb0: {  	[dreg:$0x4] =	wrdreg $0x9  }
0xb1: {  	_ =	task.clear_ibuf [dreg:s7], $0x5FFFF;
	_ =	strace $0x90000046  }
0xb2: {  	s29 =	simm.s32 $0x9;
	_ =	strace $0x80000048  }
0xb3: {  	_ =	swait.ge [sflag:s29], $0x1  }
0xb4: {  	[sflag:s29] =	ssyncadd.s32 $0xFFFFFFFF  }
0xb5: {  	_ =	strace $0x90000048  }
0xb6: {  	_ =	sfence  }
0xb7: {  	s30 =	sld [smem:$0x0];
	_ =	sdelay $0x2  }
0xb8: {  	s31 =	sshll.u32 s1, $0xD;
	s1 =	sshrl.u32 s1, $0x2  }
0xb9: {  	s3 =	sand.u32 $0x4000, s31;
	s1 =	sadd.s32 s1, s30  }
0xba: {  	s0 =	sor.u32 s3, s0;
	s1 =	sshll.u32 s1, $0x11  }
0xbb: {  	s0 =	sor.u32 s1, s0  }
0xbc: {  	s0 =	sadd.s32 $0x8F2B, s0  }
0xbd: {  	[sflag:s0] =	ssyncadd.remote.s32 $0x1  }
0xbe: {  	_ =	sfence.sel $0xFFFF  }
0xbf: {  	[dreg:$0x0] =	wrdreg $0xFFFFFFFF;
	(pc) =	sbr.abs _section_cstart, $3  }
0xc0: {  	[dreg:$0x1] =	wrdreg $0xFFFFFFFF  }
0xc1: {  	_ =	task.clear_ibuf [dreg:s7], $0x2FFFF;
	_ =	strace $0x9FFFFFFF  }
0xc2: {  	(tm) =	ssettm $0x7FFFFFFF  }
0xc3: {  	_ =	shalt  }
tec
execute0_lowered:
.L_overlay_start_1:
0x0: {  	(tag) =	ssettag $0x1  }
0x1: {  	s3 =	rddreg [dreg:$0x0]  }
0x2: {  	s1 =	rddreg [dreg:$0x1]  }
0x3: {  	s0 =	rddreg [dreg:$0x2];
	_ =	strace $0x80000047;
	v0 =	vimm.f32 $5.000000000e+04  }
0x4: {  	(erf) = vrcp.f32 v0  }
0x5: {  	s2 =	srdreg.scid  }
0x6: {  	s4 =	sand.u32 $0x1, s2;
	s2 =	stileid.u32  }
0x7: {  	s5 =	sshll.u32 s2, $0x1;
	s6 =	ssub.s32 $0x0, s4  }
0x8: {  	p0 =	sne.s32 s5, s6  }
.Ltmp0:
0x9: {  	_ = 	snop;
	(pc) =	sbr.rel @p0 .LBB2_3-.Ltmp0, $2  }
0xa: {  	_ =	sdelay $0x2  }
0xb: {  	v0 =	vpop (erf)  }
0xc: {  	v1 =	vimm.s32 $0xEFCDAB89;
	v2 =	vimm.s32 $0x67452301;
	v3 =	vimm.s32 $0xDCFE98BA  }
0xd: {  	v4 =	vimm.s32 $0x54761032;
	v5 =	vimm.s32 $0xBA98FEDC;
	v6 =	vimm.s32 $0xFEDCBA98  }
0xe: {  	v7 =	vimm.s32 $0x32107654;
	v8 =	vimm.s32 $0x76543210;
	v1 =	vunpack.c.l.s4.s8 v1  }
0xf: {  	v2 =	vunpack.c.l.s4.s8 v2;
	v3 =	vunpack.c.l.s4.s8 v3;
	v4 =	vunpack.c.l.s4.s8 v4  }
0x10: {  	v6 =	vunpack.c.l.s4.s8 v6;
	v5 =	vunpack.c.l.s4.s8 v5;
	v7 =	vunpack.c.l.s4.s8 v7  }
0x11: {  	v8 =	vunpack.c.l.s4.s8 v8;
	v1 =	vunpack.c.0.s8.s32 v1;
	v2 =	vunpack.c.0.s8.s32 v2  }
0x12: {  	s4 =	ssub.s32 $0x2, s4;
	v3 =	vunpack.c.0.s8.s32 v3;
	v4 =	vunpack.c.0.s8.s32 v4;
	v6 =	vunpack.c.0.s8.s32 v6  }
0x13: {  	s5 =	sshrl.u32 s4, $0x1;
	v5 =	vunpack.c.0.s8.s32 v5;
	v7 =	vunpack.c.0.s8.s32 v7;
	v8 =	vunpack.c.0.s8.s32 v8  }
0x14: {  	s3 =	sadd.s32 $0x600, s3;
	s6 =	simm.s32 $0x1;
	s4 =	ssub.s32 s4, s5;
	v1 =	vcombine.low v2, v1;
	v2 =	vcombine.low v4, v3;
	v4 =	vand.u32 $0xF, v6  }
0x15: {  	s7 =	simm.s32 $0x6400;
	s5 =	simm.s32 $0x0;
	s4 =	smax.u32 s4, $0x1;
	v3 =	vcombine.low v7, v5;
	v4 =	vcombine.low v4, v8  }
.LBB2_2:
0x16: {  	[tilespmem:s5], [sflag:$0x1] =	stream.linear.gather [hbm4b:s3+s5], $0x6400, $0x38;
	[tilespmem:$0x6480] =	vst v63  }
0x17: {  	_ =	swait.ge [sflag:s6], $0x6400  }
0x18: {  	[sflag:s6] =	ssyncset.done $0x0  }
0x19: {  	[sflag:s6] =	ssyncadd.s32 $0xFFFF9C00  }
0x1a: {  	v5 =	vld [tilespmem:$0x0]  }
0x1b: {  	v6 =	vld [tilespmem:$0x80]  }
0x1c: {  	v7 =	vld [tilespmem:$0x100]  }
0x1d: {  	v8 =	vld [tilespmem:$0x400]  }
0x1e: {  	v9 =	vld [tilespmem:$0x480]  }
0x1f: {  	v10 =	vld [tilespmem:$0x500]  }
0x20: {  	v11 =	vld [tilespmem:$0x800]  }
0x21: {  	v12 =	vld [tilespmem:$0x880]  }
0x22: {  	v13 =	vld [tilespmem:$0x900]  }
0x23: {  	v14 =	vld [tilespmem:$0xC00]  }
0x24: {  	v15 =	vld [tilespmem:$0xC80]  }
0x25: {  	v16 =	vld [tilespmem:$0xD00]  }
0x26: {  	v17 =	vld [tilespmem:$0x1000]  }
0x27: {  	v18 =	vld [tilespmem:$0x1080]  }
0x28: {  	v19 =	vld [tilespmem:$0x1100]  }
0x29: {  	v20 =	vld [tilespmem:$0x1400]  }
0x2a: {  	v21 =	vld [tilespmem:$0x1480]  }
0x2b: {  	v22 =	vld [tilespmem:$0x1500]  }
0x2c: {  	v23 =	vld [tilespmem:$0x1800]  }
0x2d: {  	v24 =	vld [tilespmem:$0x1880]  }
0x2e: {  	v25 =	vld [tilespmem:$0x1900];
	v5 =	vadd.f32 $0.0e+00, v5  }
0x2f: {  	v26 =	vld [tilespmem:$0x1C00]  }
0x30: {  	v48 =	vld [tilespmem:$0x1C80];
	v5 =	vadd.f32 v8, v5  }
0x31: {  	v27 =	vld [tilespmem:$0x1D00]  }
0x32: {  	v49 =	vld [tilespmem:$0x2000];
	v5 =	vadd.f32 v11, v5  }
0x33: {  	v28 =	vld [tilespmem:$0x2080]  }
0x34: {  	v50 =	vld [tilespmem:$0x2100];
	v5 =	vadd.f32 v14, v5  }
0x35: {  	v29 =	vld [tilespmem:$0x2400]  }
0x36: {  	v51 =	vld [tilespmem:$0x2480];
	v5 =	vadd.f32 v17, v5  }
0x37: {  	v30 =	vld [tilespmem:$0x2500]  }
0x38: {  	v52 =	vld [tilespmem:$0x2800];
	v5 =	vadd.f32 v20, v5  }
0x39: {  	v31 =	vld [tilespmem:$0x2880];
	v6 =	vadd.f32 $0.0e+00, v6;
	v7 =	vadd.f32 $0.0e+00, v7  }
0x3a: {  	v53 =	vld [tilespmem:$0x2900];
	v5 =	vadd.f32 v23, v5  }
0x3b: {  	v54 =	vld [tilespmem:$0x2C00];
	v6 =	vadd.f32 v9, v6;
	v7 =	vadd.f32 v10, v7  }
0x3c: {  	v55 =	vld [tilespmem:$0x2C80];
	v5 =	vadd.f32 v26, v5  }
0x3d: {  	v56 =	vld [tilespmem:$0x2D00];
	v6 =	vadd.f32 v12, v6;
	v7 =	vadd.f32 v13, v7  }
0x3e: {  	v57 =	vld [tilespmem:$0x3000];
	v5 =	vadd.f32 v49, v5  }
0x3f: {  	v58 =	vld [tilespmem:$0x3080];
	v6 =	vadd.f32 v15, v6;
	v7 =	vadd.f32 v16, v7  }
0x40: {  	v59 =	vld [tilespmem:$0x3100];
	v5 =	vadd.f32 v29, v5  }
0x41: {  	v60 =	vld [tilespmem:$0x3400];
	v6 =	vadd.f32 v18, v6;
	v7 =	vadd.f32 v19, v7  }
0x42: {  	v61 =	vld [tilespmem:$0x3480];
	v5 =	vadd.f32 v52, v5  }
0x43: {  	v62 =	vld [tilespmem:$0x3500];
	v6 =	vadd.f32 v21, v6;
	v7 =	vadd.f32 v22, v7  }
0x44: {  	v63 =	vld [tilespmem:$0x3800];
	v5 =	vadd.f32 v54, v5  }
0x45: {  	v32 =	vld [tilespmem:$0x3C00];
	v6 =	vadd.f32 v24, v6;
	v7 =	vadd.f32 v25, v7  }
0x46: {  	v33 =	vld [tilespmem:$0x3C80];
	v5 =	vadd.f32 v57, v5  }
0x47: {  	v34 =	vld [tilespmem:$0x4000];
	v6 =	vadd.f32 v48, v6;
	v7 =	vadd.f32 v27, v7  }
0x48: {  	v35 =	vld [tilespmem:$0x3D00];
	v5 =	vadd.f32 v60, v5  }
0x49: {  	v36 =	vld [tilespmem:$0x4400];
	v6 =	vadd.f32 v28, v6;
	v7 =	vadd.f32 v50, v7  }
0x4a: {  	v37 =	vld [tilespmem:$0x4080];
	v5 =	vadd.f32 v63, v5  }
0x4b: {  	v38 =	vld [tilespmem:$0x4800];
	v6 =	vadd.f32 v51, v6;
	v7 =	vadd.f32 v30, v7  }
0x4c: {  	v39 =	vld [tilespmem:$0x4100];
	v5 =	vadd.f32 v32, v5  }
0x4d: {  	v40 =	vld [tilespmem:$0x4C00];
	v6 =	vadd.f32 v31, v6;
	v7 =	vadd.f32 v53, v7  }
0x4e: {  	v41 =	vld [tilespmem:$0x4480];
	v5 =	vadd.f32 v34, v5  }
0x4f: {  	v26 =	vld [tilespmem:$0x3880];
	v6 =	vadd.f32 v55, v6;
	v7 =	vadd.f32 v56, v7  }
0x50: {  	v29 =	vld [tilespmem:$0x3900];
	v5 =	vadd.f32 v36, v5  }
0x51: {  	v42 =	vld [tilespmem:$0x5000];
	v6 =	vadd.f32 v58, v6;
	v7 =	vadd.f32 v59, v7  }
0x52: {  	v43 =	vld [tilespmem:$0x4500];
	v5 =	vadd.f32 v38, v5  }
0x53: {  	v44 =	vld [tilespmem:$0x5400];
	v6 =	vadd.f32 v61, v6;
	v7 =	vadd.f32 v62, v7  }
0x54: {  	v45 =	vld [tilespmem:$0x4880];
	v5 =	vadd.f32 v40, v5  }
0x55: {  	v46 =	vld [tilespmem:$0x5800];
	v6 =	vadd.f32 v26, v6;
	v7 =	vadd.f32 v29, v7  }
0x56: {  	v47 =	vld [tilespmem:$0x4900];
	v5 =	vadd.f32 v42, v5  }
0x57: {  	v48 =	vld [tilespmem:$0x5C00];
	v6 =	vadd.f32 v33, v6;
	v7 =	vadd.f32 v35, v7  }
0x58: {  	v49 =	vld [tilespmem:$0x4C80];
	v5 =	vadd.f32 v44, v5  }
0x59: {  	v50 =	vld [tilespmem:$0x6000];
	v6 =	vadd.f32 v37, v6;
	v7 =	vadd.f32 v39, v7  }
0x5a: {  	v51 =	vld [tilespmem:$0x4D00];
	v5 =	vadd.f32 v46, v5  }
0x5b: {  	v52 =	vld [tilespmem:$0x5080];
	v6 =	vadd.f32 v41, v6;
	v7 =	vadd.f32 v43, v7  }
0x5c: {  	v53 =	vld [tilespmem:$0x5100];
	v5 =	vadd.f32 v48, v5  }
0x5d: {  	v54 =	vld [tilespmem:$0x5480];
	v6 =	vadd.f32 v45, v6;
	v7 =	vadd.f32 v47, v7  }
0x5e: {  	v55 =	vld [tilespmem:$0x5500];
	v5 =	vadd.f32 v50, v5  }
0x5f: {  	v56 =	vld [tilespmem:$0x5880];
	v6 =	vadd.f32 v49, v6;
	v7 =	vadd.f32 v51, v7  }
0x60: {  	v57 =	vld [tilespmem:$0x5900];
	v58 =	vmax.f32 v5, $1.000000000e+00  }
0x61: {  	v59 =	vld [tilespmem:$0x5C80];
	v6 =	vadd.f32 v52, v6;
	v7 =	vadd.f32 v53, v7;
	(erf) = vrcp.f32 v58  }
0x62: {  	v60 =	vld [tilespmem:$0x5D00]  }
0x63: {  	v61 =	vld [tilespmem:$0x6080];
	v6 =	vadd.f32 v54, v6;
	v7 =	vadd.f32 v55, v7  }
0x64: {  	v62 =	vld [tilespmem:$0x6100]  }
0x65: {  	v6 =	vadd.f32 v56, v6;
	v7 =	vadd.f32 v57, v7;
	_ =	sdelay $0x1  }
0x66: {  	v6 =	vadd.f32 v59, v6;
	v7 =	vadd.f32 v60, v7;
	_ =	sdelay $0x1  }
0x67: {  	v6 =	vadd.f32 v61, v6;
	v7 =	vadd.f32 v62, v7  }
0x68: {  	v63 =	vpop (erf)  }
0x69: {  	v6 =	vmul.f32 v63, v6;
	v7 =	vmul.f32 v63, v7;
	_ =	sdelay $0x1  }
0x6a: {  	v6 =	vsub.f32 v6, v7  }
0x6b: {  	v7 =	vmul.f32 v5, v0  }
0x6c: {  	v6 =	vand.u32 $0x7FFFFFFF, v6  }
0x6d: {  	v6 =	vmul.f32 v6, v7  }
0x6e: {  	vm0 =	vgt.f32 v5, $0.0e+00  }
0x6f: {  	v5 =	vnsel vm0, $0x0, v6  }
0x70: {  	v6 =	vperm.xlane v5, v1;
	_ =	sdelay $0x1  }
0x71: {  	v5 =	vadd.f32 v5, v6;
	_ =	sdelay $0x1  }
0x72: {  	v6 =	vperm.xlane v5, v2;
	_ =	sdelay $0x1  }
0x73: {  	v5 =	vadd.f32 v5, v6;
	_ =	sdelay $0x1  }
0x74: {  	v6 =	vperm.xlane v5, v3;
	_ =	sdelay $0x1  }
0x75: {  	v5 =	vadd.f32 v5, v6;
	_ =	sdelay $0x1  }
0x76: {  	v6 =	vperm.xlane v5, v4;
	_ =	sdelay $0x1  }
0x77: {  	v5 =	vadd.f32 v5, v6  }
0x78: {  	p0 =	sne.s32 s4, $0x1  }
.Ltmp1:
0x79: {  	[tilespmem:$0x6400] =	vst v5;
	(pc) =	sbr.rel @p0 .LBB2_2-.Ltmp1, $4  }
0x7a: {  	[hbm4b:s1+s5] =	stream.linear.scatter [tilespmem:s7], [sflag:$0x1], $0x80, $0x38;
	[tilespmem:$0x6480] =	vst v63  }
0x7b: {  	_ =	swait.ge [sflag:s6], $0x80  }
0x7c: {  	[sflag:s6] =	ssyncset.done $0x0  }
0x7d: {  	s4 =	sadd.s32 $0xFFFFFFFF, s4;
	[sflag:s6] =	ssyncadd.s32 $0xFFFFFF80  }
.LBB2_3:
0x7e: {  	_ =	sfence.sel $0x180000  }
0x7f: {  	[bflag:$0x0] =	sbarrier.arrive $0xFFFF  }
0x80: {  	p0 =	sne.s32 s2, $0x0;
	_ =	strace $0x90000047  }
0x81: {  	s0 =	sadd.s32 @!p0 $0x100000, s0;
	[bflag:$0x2] =	sbarrier.arrive $0xFFFF  }
0x82: {  	[sflag:s0] =	ssyncadd.tile.s32 @!p0 $0x1;
	_ =	shalt  }
.Lfunc_end2:
_tile_overlayer_lowered:
.L_overlay_start_2:
0x83: {  	(tag) =	ssettag $0x2  }
0x84: {  	s0 =	rddreg [dreg:$0x0];
	s2 =	stileid.u32  }
0x85: {  	s1 =	rddreg [dreg:$0x1];
	p0 =	sne.s32 s2, $0x0  }
0x86: {  	s3 =	rddreg [dreg:$0x2];
	[bflag:$0x3] =	sbarrier.arrive $0xFFFF;
	s2 =	simm.s32 @!p0 $0x1C01  }
0x87: {  	[timem:s3], [sflag:s2] =	dma.local @!p0 [hbm:s0], s1  }
0x88: {  	s0 =	simm.s32 @!p0 $0x1  }
0x89: {  	_ =	swait.ge @!p0 [sflag:s0], s1  }
0x8a: {  	s1 =	ssub.s32 @!p0 $0x0, s1;
	[sflag:s0] =	ssyncset.done @!p0 $0x0  }
0x8b: {  	[sflag:s0] =	ssyncadd.s32 @!p0 s1  }
0x8c: {  	[bflag:$0x3] =	sbarrier.arrive $0xFFFF  }
0x8d: {  	_ =	shalt  }

</sc_bundles>
